<compile_context>
chip_gen: v7x
topology: tpu7x:2x2x1
jax: 0.10.2.dev20260603
libtpu: 0.0.44.dev20260713+nightly
codegen_flags: <defaults>
</compile_context>

<pallas_src>
import jax
import jax.numpy as jnp
from jax import lax
from jax.experimental import pallas as pl
from jax.experimental.pallas import tpu as pltpu
from jax.experimental.pallas import tpu_sc as plsc

B = 16384
NUM_FEAT = 32
D_MCC = 32
D_CTRY = 16
HID = 128
D_OTHER = 64
DP = 2 * D_OTHER

NC = 2
NS = 16
NW = NC * NS
BPW = B // NW
CHS = 128
NCHS = BPW // CHS


def _sc_small_body(idx_hbm, merchp_t, mcc_t, ctry_t,
                   merchp_o, mcc_o, ctry_o,
                   idx_v, pair_v, mcc_v, ctry_v, sem):
    wid = lax.axis_index("s") * NC + lax.axis_index("c")
    base = wid * BPW
    out = pl.ds(base, BPW)
    pltpu.sync_copy(idx_hbm.at[wid], idx_v)
    cps = []
    for j in range(NCHS):
        dst = pl.ds(j * CHS, CHS)
        cps.append(pltpu.async_copy(merchp_t.at[idx_v.at[0, j]],
                                    pair_v.at[dst], sem))
        cps.append(pltpu.async_copy(mcc_t.at[idx_v.at[1, j]], mcc_v.at[dst], sem))
        cps.append(pltpu.async_copy(ctry_t.at[idx_v.at[2, j]], ctry_v.at[dst], sem))
    for cp in cps:
        cp.wait()
    pltpu.sync_copy(pair_v, merchp_o.at[out])
    pltpu.sync_copy(mcc_v, mcc_o.at[out])
    pltpu.sync_copy(ctry_v, ctry_o.at[out])


@jax.jit
def _sc_small(idx_packed, merchp, emb_mcc, emb_country):
    mesh = plsc.VectorSubcoreMesh(core_axis_name="c", subcore_axis_name="s",
                                  num_cores=NC, num_subcores=NS)
    f = pl.kernel(
        _sc_small_body,
        out_type=(
            jax.ShapeDtypeStruct((B, DP), jnp.float32),
            jax.ShapeDtypeStruct((B, D_MCC), jnp.float32),
            jax.ShapeDtypeStruct((B, D_CTRY), jnp.float32),
        ),
        mesh=mesh,
        scratch_types=[
            pltpu.VMEM((3, NCHS, CHS), jnp.int32),
            pltpu.VMEM((BPW, DP), jnp.float32),
            pltpu.VMEM((BPW, D_MCC), jnp.float32),
            pltpu.VMEM((BPW, D_CTRY), jnp.float32),
            pltpu.SemaphoreType.DMA,
        ],
        compiler_params=pltpu.CompilerParams(use_tc_tiling_on_sc=False),
    )
    return f(idx_packed, merchp, emb_mcc, emb_country)


def _sc_card_body(idx_hbm, cardp_t, cardp_o, idx_v, pair_v, sem):
    wid = lax.axis_index("s") * NC + lax.axis_index("c")
    base = wid * BPW
    pltpu.sync_copy(idx_hbm.at[wid], idx_v)
    cps = []
    for j in range(NCHS):
        dst = pl.ds(j * CHS, CHS)
        cps.append(pltpu.async_copy(cardp_t.at[idx_v.at[j]],
                                    pair_v.at[dst], sem))
    for cp in cps:
        cp.wait()
    pltpu.sync_copy(pair_v, cardp_o.at[pl.ds(base, BPW)])


@jax.jit
def _sc_card(idx_packed, cardp):
    mesh = plsc.VectorSubcoreMesh(core_axis_name="c", subcore_axis_name="s",
                                  num_cores=NC, num_subcores=NS)
    f = pl.kernel(
        _sc_card_body,
        out_type=jax.ShapeDtypeStruct((B, DP), jnp.float32),
        mesh=mesh,
        scratch_types=[
            pltpu.VMEM((NCHS, CHS), jnp.int32),
            pltpu.VMEM((BPW, DP), jnp.float32),
            pltpu.SemaphoreType.DMA,
        ],
        compiler_params=pltpu.CompilerParams(use_tc_tiling_on_sc=False),
    )
    return f(idx_packed, cardp)


RGB = 32768
RHB = RGB // 2


def _repack_body(x_ref, eye_ref, o_ref):
    del eye_ref
    o_ref[...] = jnp.concatenate(
        [x_ref[:, 0:RHB].T, x_ref[:, RHB:RGB].T], axis=1)


def _tc_repack(tbl_t, eye):
    n = tbl_t.shape[1]
    grid = pl.cdiv(n, RGB)
    return pl.pallas_call(
        _repack_body,
        grid=(grid,),
        in_specs=[pl.BlockSpec((D_OTHER, RGB), lambda i: (0, i)),
                  pl.BlockSpec((D_OTHER, D_OTHER), lambda i: (0, 0))],
        out_specs=pl.BlockSpec((RHB, DP), lambda i: (i, 0)),
        out_shape=jax.ShapeDtypeStruct((grid * RHB, DP), jnp.float32),
    )(tbl_t, eye)


BT = 2048


def _tc_body(xn, par, em, ec, cp, mp, wt, bt, wc, bc, wm, bm, ot, oc, om):
    dn = (((0,), (0,)), ((), ()))
    t = lax.dot_general(xn[...], wt[0:NUM_FEAT, :], dn,
                        preferred_element_type=jnp.float32)
    t = t + jnp.dot(em[...], wt[NUM_FEAT:NUM_FEAT + D_MCC, :],
                    preferred_element_type=jnp.float32)
    t = t + jnp.dot(ec[...], wt[NUM_FEAT + D_MCC:, :],
                    preferred_element_type=jnp.float32)
    ot[...] = t + bt[...]
    pc = par[:, 0:1]
    pm = par[:, 1:2]
    cr = jnp.where(pc == 1, cp[:, D_OTHER:], cp[:, :D_OTHER])
    mr = jnp.where(pm == 1, mp[:, D_OTHER:], mp[:, :D_OTHER])
    oc[...] = jnp.dot(cr, wc[...], preferred_element_type=jnp.float32) + bc[...]
    om[...] = jnp.dot(mr, wm[...], preferred_element_type=jnp.float32) + bm[...]


@jax.jit
def _tc_project(xn_t, par, e_mcc, e_ctry, cardp_rows, merchp_rows,
                W_trans, b_trans, W_card, b_card, W_merchant, b_merchant):
    col = lambda d: pl.BlockSpec((d, BT), lambda i: (0, i))
    row = lambda d: pl.BlockSpec((BT, d), lambda i: (i, 0))
    full = lambda a: pl.BlockSpec(a.shape, lambda i: (0,) * a.ndim)
    return pl.pallas_call(
        _tc_body,
        grid=(B // BT,),
        in_specs=[col(NUM_FEAT), row(2), row(D_MCC), row(D_CTRY), row(DP),
                  row(DP), full(W_trans), full(b_trans), full(W_card),
                  full(b_card), full(W_merchant), full(b_merchant)],
        out_specs=[row(HID), row(HID), row(HID)],
        out_shape=[jax.ShapeDtypeStruct((B, HID), jnp.float32)] * 3,
    )(xn_t, par, e_mcc, e_ctry, cardp_rows, merchp_rows,
      W_trans, b_trans, W_card, b_card, W_merchant, b_merchant)


def kernel(x_num, x_cat, n_id_card, n_id_merchant,
           emb_mcc, emb_country, W_trans, b_trans,
           emb_card, W_card, b_card,
           emb_merchant, W_merchant, b_merchant):
    eye = jnp.eye(D_OTHER, dtype=jnp.float32)
    cardp = _tc_repack(emb_card.T, eye)
    merchp = _tc_repack(emb_merchant.T, eye)
    pair = lambda x: (x // RGB) * RHB + (x & (RHB - 1))
    half = lambda x: (x // RHB) & 1
    idx_small = jnp.stack(
        [pair(n_id_merchant).reshape(NW, BPW),
         (x_cat[:, 0] + 1).reshape(NW, BPW),
         (x_cat[:, 1] + 1).reshape(NW, BPW)], axis=1).reshape(NW, 3, NCHS, CHS)
    idx_card = pair(n_id_card).reshape(NW, NCHS, CHS)
    par = jnp.stack([half(n_id_card), half(n_id_merchant)], axis=1)
    merchp_rows, e_mcc, e_ctry = _sc_small(
        idx_small, merchp, emb_mcc, emb_country)
    cardp_rows = _sc_card(idx_card, cardp)
    out_trans, out_card, out_merch = _tc_project(
        x_num.T, par, e_mcc, e_ctry, cardp_rows, merchp_rows,
        W_trans, b_trans.reshape(1, HID), W_card, b_card.reshape(1, HID),
        W_merchant, b_merchant.reshape(1, HID))
    return (out_trans, out_card, out_merch)

# --- scband reference (transcript-rebuilt; emitter-appended) ---
"""Pipeline reference for scband-feature-encoder-71897752535762 (READ-ONLY COPY).

The authoritative reference and input builder live on the scoring server;
editing this copy changes nothing except your own understanding.
"""

import jax, jax.numpy as jnp
import numpy as np

B = 16384
NUM_FEAT = 32
D_MCC = 32
D_CTRY = 16
HID = 128
D_OTHER = 64
N_CARD = 1000000
N_MERCH = 100000
C_MCC = 1001   # cardinality 1000 + 1
C_CTRY = 201   # cardinality 200 + 1


def setup_inputs(seed: int = 0) -> dict:
    key = jax.random.key(seed)
    ks = jax.random.split(key, 16)
    inp = {}
    # forward inputs (x_dict / n_id_dict contents flattened)
    inp['x_num'] = jax.random.normal(ks[0], (B, NUM_FEAT), dtype=jnp.float32)
    inp['x_cat'] = jax.random.randint(ks[1], (B, 2), 0, 200, dtype=jnp.int32)
    inp['n_id_card'] = jax.random.randint(ks[2], (B,), 0, N_CARD, dtype=jnp.int32)
    inp['n_id_merchant'] = jax.random.randint(ks[3], (B,), 0, N_MERCH, dtype=jnp.int32)
    # learned parameters
    inp['emb_mcc'] = jax.random.normal(ks[4], (C_MCC, D_MCC), dtype=jnp.float32) * 0.02
    inp['emb_country'] = jax.random.normal(ks[5], (C_CTRY, D_CTRY), dtype=jnp.float32) * 0.02
    total_trans_dim = NUM_FEAT + D_MCC + D_CTRY
    inp['W_trans'] = jax.random.normal(ks[6], (total_trans_dim, HID), dtype=jnp.float32) * 0.05
    inp['b_trans'] = jnp.zeros((HID,), dtype=jnp.float32)
    inp['emb_card'] = jax.random.normal(ks[7], (N_CARD, D_OTHER), dtype=jnp.float32) * 0.02
    inp['W_card'] = jax.random.normal(ks[8], (D_OTHER, HID), dtype=jnp.float32) * 0.05
    inp['b_card'] = jnp.zeros((HID,), dtype=jnp.float32)
    inp['emb_merchant'] = jax.random.normal(ks[9], (N_MERCH, D_OTHER), dtype=jnp.float32) * 0.02
    inp['W_merchant'] = jax.random.normal(ks[10], (D_OTHER, HID), dtype=jnp.float32) * 0.05
    inp['b_merchant'] = jnp.zeros((HID,), dtype=jnp.float32)
    return inp


def reference(x_num, x_cat, n_id_card, n_id_merchant,
              emb_mcc, emb_country, W_trans, b_trans,
              emb_card, W_card, b_card,
              emb_merchant, W_merchant, b_merchant):
    # transaction node type: numerical feats + categorical embedding lookups
    idx_mcc = jnp.clip(x_cat[:, 0] + 1, 0, emb_mcc.shape[0] - 1)
    idx_ctry = jnp.clip(x_cat[:, 1] + 1, 0, emb_country.shape[0] - 1)
    e_mcc = jnp.take(emb_mcc, idx_mcc, axis=0)
    e_ctry = jnp.take(emb_country, idx_ctry, axis=0)
    combined = jnp.concatenate([x_num, e_mcc, e_ctry], axis=1)
    out_trans = combined @ W_trans + b_trans
    # card node type: embedding lookup (n_id_dict path) + linear map
    out_card = jnp.take(emb_card, n_id_card, axis=0) @ W_card + b_card
    # merchant node type: embedding lookup + linear map
    out_merch = jnp.take(emb_merchant, n_id_merchant, axis=0) @ W_merchant + b_merchant
    return (out_trans, out_card, out_merch)

if __name__ == "__main__":
    import jax
    _d = setup_inputs()
    print(jax.jit(kernel)(*tuple(_d.values())))

</pallas_src>

<mosaic_0001>
#map = affine_map<(d0, d1) -> (0, 0, 0, 0)>
#map1 = affine_map<(d0, d1) -> (0, 0)>
module attributes {stable_mosaic.version = 14 : i64} {
  func.func @_sc_small_body(%arg0: i32, %arg1: i32, %arg2: memref<32x3x4x128xi32, #tpu.memory_space<hbm>>, %arg3: memref<65536x128xf32, #tpu.memory_space<hbm>>, %arg4: memref<1001x32xf32, #tpu.memory_space<hbm>>, %arg5: memref<201x16xf32, #tpu.memory_space<hbm>>, %arg6: memref<16384x128xf32, #tpu.memory_space<hbm>>, %arg7: memref<16384x32xf32, #tpu.memory_space<hbm>>, %arg8: memref<16384x16xf32, #tpu.memory_space<hbm>>, %arg9: memref<3x4x128xi32, #tpu.memory_space<vmem>>, %arg10: memref<512x128xf32, #tpu.memory_space<vmem>>, %arg11: memref<512x32xf32, #tpu.memory_space<vmem>>, %arg12: memref<512x16xf32, #tpu.memory_space<vmem>>, %arg13: memref<!tpu.dma_semaphore, #tpu.memory_space<semaphore_mem>>) attributes {dimension_semantics = [#tpu.dimension_semantics<core_parallel>, #tpu.dimension_semantics<subcore_parallel>], iteration_bounds = array<i64: 2, 16>, scalar_prefetch = 0 : i64, scratch_operands = 5 : i64, tpu.core_type = #tpu.core_type<sc_vector_subcore>, window_params = [{transform_indices = #map}, {transform_indices = #map1}, {transform_indices = #map1}, {transform_indices = #map1}, {transform_indices = #map1}, {transform_indices = #map1}, {transform_indices = #map1}]} {
    %mul3A = arith.constant 2 : i32
    %mul3A_0 = arith.muli %arg1, %mul3A : i32
    %add3A = arith.addi %mul3A_0, %arg0 : i32
    %mul3A_1 = arith.constant 512 : i32
    %mul3A_2 = arith.muli %add3A, %mul3A_1 : i32
    "tpu.region"() ({
      %run_scoped3A = tpu.sem_alloc : memref<!tpu.dma_semaphore, #tpu.memory_space<semaphore_mem>>
      %dma_start3A_265 = arith.constant 0 : i32
      %dma_start3A_266 = arith.constant 0 : i32
      %dma_start3A_267 = arith.constant 0 : i32
      %dma_start3A_268 = tpu.memref_slice %arg2[%add3A, %dma_start3A_265, %dma_start3A_266, %dma_start3A_267] : memref<32x3x4x128xi32, #tpu.memory_space<hbm>> -> memref<1x3x4x128xi32, #tpu.memory_space<hbm>>
      %dma_start3A_269 = tpu.memref_squeeze %dma_start3A_268 : memref<1x3x4x128xi32, #tpu.memory_space<hbm>> -> memref<3x4x128xi32, #tpu.memory_space<hbm>>
      %dma_start3A_270 = arith.constant 0 : i32
      %dma_start3A_271 = arith.constant 0 : i32
      %dma_start3A_272 = arith.constant 0 : i32
      %dma_start3A_273 = tpu.memref_slice %arg2[%add3A, %dma_start3A_270, %dma_start3A_271, %dma_start3A_272] : memref<32x3x4x128xi32, #tpu.memory_space<hbm>> -> memref<1x3x4x128xi32, #tpu.memory_space<hbm>>
      %dma_start3A_274 = tpu.memref_squeeze %dma_start3A_273 : memref<1x3x4x128xi32, #tpu.memory_space<hbm>> -> memref<3x4x128xi32, #tpu.memory_space<hbm>>
      tpu.enqueue_dma source(%dma_start3A_274 : memref<3x4x128xi32, #tpu.memory_space<hbm>>) target(%arg9 : memref<3x4x128xi32, #tpu.memory_space<vmem>>) target_semaphore(%run_scoped3A : memref<!tpu.dma_semaphore, #tpu.memory_space<semaphore_mem>>)
      %dma_wait3A_275 = arith.constant 0 : i32
      %dma_wait3A_276 = arith.constant 0 : i32
      %dma_wait3A_277 = arith.constant 0 : i32
      %dma_wait3A_278 = tpu.memref_slice %arg2[%add3A, %dma_wait3A_275, %dma_wait3A_276, %dma_wait3A_277] : memref<32x3x4x128xi32, #tpu.memory_space<hbm>> -> memref<1x3x4x128xi32, #tpu.memory_space<hbm>>
      %dma_wait3A_279 = tpu.memref_squeeze %dma_wait3A_278 : memref<1x3x4x128xi32, #tpu.memory_space<hbm>> -> memref<3x4x128xi32, #tpu.memory_space<hbm>>
      %dma_wait3A_280 = arith.constant 0 : i32
      %dma_wait3A_281 = arith.constant 0 : i32
      %dma_wait3A_282 = arith.constant 0 : i32
      %dma_wait3A_283 = tpu.memref_slice %arg2[%add3A, %dma_wait3A_280, %dma_wait3A_281, %dma_wait3A_282] : memref<32x3x4x128xi32, #tpu.memory_space<hbm>> -> memref<1x3x4x128xi32, #tpu.memory_space<hbm>>
      %dma_wait3A_284 = tpu.memref_squeeze %dma_wait3A_283 : memref<1x3x4x128xi32, #tpu.memory_space<hbm>> -> memref<3x4x128xi32, #tpu.memory_space<hbm>>
      tpu.wait_dma2 semaphore(%run_scoped3A : memref<!tpu.dma_semaphore, #tpu.memory_space<semaphore_mem>>) src(%dma_wait3A_284 : memref<3x4x128xi32, #tpu.memory_space<hbm>>) dst(%arg9 : memref<3x4x128xi32, #tpu.memory_space<vmem>>)
      tpu.yield
    }) : () -> ()
    %dma_start3A = arith.constant 0 : i32
    %dma_start3A_3 = arith.constant 0 : i32
    %dma_start3A_4 = arith.constant 0 : i32
    %dma_start3A_5 = arith.constant 0 : i32
    %dma_start3A_6 = tpu.memref_slice %arg10[%dma_start3A_4, %dma_start3A_5] : memref<512x128xf32, #tpu.memory_space<vmem>> -> memref<128x128xf32, #tpu.memory_space<vmem>>
    %dma_start3A_7 = arith.constant 0 : i32
    %dma_start3A_8 = tpu.memref_slice %arg9[%dma_start3A, %dma_start3A_3, %dma_start3A_7] : memref<3x4x128xi32, #tpu.memory_space<vmem>> -> memref<1x1x128xi32, #tpu.memory_space<vmem>>
    %dma_start3A_9 = tpu.memref_squeeze %dma_start3A_8 : memref<1x1x128xi32, #tpu.memory_space<vmem>> -> memref<128xi32, #tpu.memory_space<vmem>>
    %dma_start3A_10 = arith.constant 0 : i32
    %dma_start3A_11 = arith.constant 0 : i32
    %dma_start3A_12 = tpu.memref_slice %arg3[%dma_start3A_10, %dma_start3A_11] : memref<65536x128xf32, #tpu.memory_space<hbm>> -> memref<65536x128xf32, #tpu.memory_space<hbm>>
    tpu.enqueue_indirect_dma source(%dma_start3A_12 : memref<65536x128xf32, #tpu.memory_space<hbm>>) target(%dma_start3A_6 : memref<128x128xf32, #tpu.memory_space<vmem>>) offsets(%dma_start3A_9 : memref<128xi32, #tpu.memory_space<vmem>>) semaphore(%arg13 : memref<!tpu.dma_semaphore, #tpu.memory_space<semaphore_mem>>)
    %dma_start3A_13 = arith.constant 1 : i32
    %dma_start3A_14 = arith.constant 0 : i32
    %dma_start3A_15 = arith.constant 0 : i32
    %dma_start3A_16 = arith.constant 0 : i32
    %dma_start3A_17 = tpu.memref_slice %arg11[%dma_start3A_15, %dma_start3A_16] : memref<512x32xf32, #tpu.memory_space<vmem>> -> memref<128x32xf32, #tpu.memory_space<vmem>>
    %dma_start3A_18 = arith.constant 0 : i32
    %dma_start3A_19 = tpu.memref_slice %arg9[%dma_start3A_13, %dma_start3A_14, %dma_start3A_18] : memref<3x4x128xi32, #tpu.memory_space<vmem>> -> memref<1x1x128xi32, #tpu.memory_space<vmem>>
    %dma_start3A_20 = tpu.memref_squeeze %dma_start3A_19 : memref<1x1x128xi32, #tpu.memory_space<vmem>> -> memref<128xi32, #tpu.memory_space<vmem>>
    %dma_start3A_21 = arith.constant 0 : i32
    %dma_start3A_22 = arith.constant 0 : i32
    %dma_start3A_23 = tpu.memref_slice %arg4[%dma_start3A_21, %dma_start3A_22] : memref<1001x32xf32, #tpu.memory_space<hbm>> -> memref<1001x32xf32, #tpu.memory_space<hbm>>
    tpu.enqueue_indirect_dma source(%dma_start3A_23 : memref<1001x32xf32, #tpu.memory_space<hbm>>) target(%dma_start3A_17 : memref<128x32xf32, #tpu.memory_space<vmem>>) offsets(%dma_start3A_20 : memref<128xi32, #tpu.memory_space<vmem>>) semaphore(%arg13 : memref<!tpu.dma_semaphore, #tpu.memory_space<semaphore_mem>>)
    %dma_start3A_24 = arith.constant 2 : i32
    %dma_start3A_25 = arith.constant 0 : i32
    %dma_start3A_26 = arith.constant 0 : i32
    %dma_start3A_27 = arith.constant 0 : i32
    %dma_start3A_28 = tpu.memref_slice %arg12[%dma_start3A_26, %dma_start3A_27] : memref<512x16xf32, #tpu.memory_space<vmem>> -> memref<128x16xf32, #tpu.memory_space<vmem>>
    %dma_start3A_29 = arith.constant 0 : i32
    %dma_start3A_30 = tpu.memref_slice %arg9[%dma_start3A_24, %dma_start3A_25, %dma_start3A_29] : memref<3x4x128xi32, #tpu.memory_space<vmem>> -> memref<1x1x128xi32, #tpu.memory_space<vmem>>
    %dma_start3A_31 = tpu.memref_squeeze %dma_start3A_30 : memref<1x1x128xi32, #tpu.memory_space<vmem>> -> memref<128xi32, #tpu.memory_space<vmem>>
    %dma_start3A_32 = arith.constant 0 : i32
    %dma_start3A_33 = arith.constant 0 : i32
    %dma_start3A_34 = tpu.memref_slice %arg5[%dma_start3A_32, %dma_start3A_33] : memref<201x16xf32, #tpu.memory_space<hbm>> -> memref<201x16xf32, #tpu.memory_space<hbm>>
    tpu.enqueue_indirect_dma source(%dma_start3A_34 : memref<201x16xf32, #tpu.memory_space<hbm>>) target(%dma_start3A_28 : memref<128x16xf32, #tpu.memory_space<vmem>>) offsets(%dma_start3A_31 : memref<128xi32, #tpu.memory_space<vmem>>) semaphore(%arg13 : memref<!tpu.dma_semaphore, #tpu.memory_space<semaphore_mem>>)
    %dma_start3A_35 = arith.constant 0 : i32
    %dma_start3A_36 = arith.constant 1 : i32
    %dma_start3A_37 = arith.constant 128 : i32
    %dma_start3A_38 = arith.constant 0 : i32
    %dma_start3A_39 = tpu.memref_slice %arg10[%dma_start3A_37, %dma_start3A_38] : memref<512x128xf32, #tpu.memory_space<vmem>> -> memref<128x128xf32, #tpu.memory_space<vmem>>
    %dma_start3A_40 = arith.constant 0 : i32
    %dma_start3A_41 = tpu.memref_slice %arg9[%dma_start3A_35, %dma_start3A_36, %dma_start3A_40] : memref<3x4x128xi32, #tpu.memory_space<vmem>> -> memref<1x1x128xi32, #tpu.memory_space<vmem>>
    %dma_start3A_42 = tpu.memref_squeeze %dma_start3A_41 : memref<1x1x128xi32, #tpu.memory_space<vmem>> -> memref<128xi32, #tpu.memory_space<vmem>>
    %dma_start3A_43 = arith.constant 0 : i32
    %dma_start3A_44 = arith.constant 0 : i32
    %dma_start3A_45 = tpu.memref_slice %arg3[%dma_start3A_43, %dma_start3A_44] : memref<65536x128xf32, #tpu.memory_space<hbm>> -> memref<65536x128xf32, #tpu.memory_space<hbm>>
    tpu.enqueue_indirect_dma source(%dma_start3A_45 : memref<65536x128xf32, #tpu.memory_space<hbm>>) target(%dma_start3A_39 : memref<128x128xf32, #tpu.memory_space<vmem>>) offsets(%dma_start3A_42 : memref<128xi32, #tpu.memory_space<vmem>>) semaphore(%arg13 : memref<!tpu.dma_semaphore, #tpu.memory_space<semaphore_mem>>)
    %dma_start3A_46 = arith.constant 1 : i32
    %dma_start3A_47 = arith.constant 1 : i32
    %dma_start3A_48 = arith.constant 128 : i32
    %dma_start3A_49 = arith.constant 0 : i32
    %dma_start3A_50 = tpu.memref_slice %arg11[%dma_start3A_48, %dma_start3A_49] : memref<512x32xf32, #tpu.memory_space<vmem>> -> memref<128x32xf32, #tpu.memory_space<vmem>>
    %dma_start3A_51 = arith.constant 0 : i32
    %dma_start3A_52 = tpu.memref_slice %arg9[%dma_start3A_46, %dma_start3A_47, %dma_start3A_51] : memref<3x4x128xi32, #tpu.memory_space<vmem>> -> memref<1x1x128xi32, #tpu.memory_space<vmem>>
    %dma_start3A_53 = tpu.memref_squeeze %dma_start3A_52 : memref<1x1x128xi32, #tpu.memory_space<vmem>> -> memref<128xi32, #tpu.memory_space<vmem>>
    %dma_start3A_54 = arith.constant 0 : i32
    %dma_start3A_55 = arith.constant 0 : i32
    %dma_start3A_56 = tpu.memref_slice %arg4[%dma_start3A_54, %dma_start3A_55] : memref<1001x32xf32, #tpu.memory_space<hbm>> -> memref<1001x32xf32, #tpu.memory_space<hbm>>
    tpu.enqueue_indirect_dma source(%dma_start3A_56 : memref<1001x32xf32, #tpu.memory_space<hbm>>) target(%dma_start3A_50 : memref<128x32xf32, #tpu.memory_space<vmem>>) offsets(%dma_start3A_53 : memref<128xi32, #tpu.memory_space<vmem>>) semaphore(%arg13 : memref<!tpu.dma_semaphore, #tpu.memory_space<semaphore_mem>>)
    %dma_start3A_57 = arith.constant 2 : i32
    %dma_start3A_58 = arith.constant 1 : i32
    %dma_start3A_59 = arith.constant 128 : i32
    %dma_start3A_60 = arith.constant 0 : i32
    %dma_start3A_61 = tpu.memref_slice %arg12[%dma_start3A_59, %dma_start3A_60] : memref<512x16xf32, #tpu.memory_space<vmem>> -> memref<128x16xf32, #tpu.memory_space<vmem>>
    %dma_start3A_62 = arith.constant 0 : i32
    %dma_start3A_63 = tpu.memref_slice %arg9[%dma_start3A_57, %dma_start3A_58, %dma_start3A_62] : memref<3x4x128xi32, #tpu.memory_space<vmem>> -> memref<1x1x128xi32, #tpu.memory_space<vmem>>
    %dma_start3A_64 = tpu.memref_squeeze %dma_start3A_63 : memref<1x1x128xi32, #tpu.memory_space<vmem>> -> memref<128xi32, #tpu.memory_space<vmem>>
    %dma_start3A_65 = arith.constant 0 : i32
    %dma_start3A_66 = arith.constant 0 : i32
    %dma_start3A_67 = tpu.memref_slice %arg5[%dma_start3A_65, %dma_start3A_66] : memref<201x16xf32, #tpu.memory_space<hbm>> -> memref<201x16xf32, #tpu.memory_space<hbm>>
    tpu.enqueue_indirect_dma source(%dma_start3A_67 : memref<201x16xf32, #tpu.memory_space<hbm>>) target(%dma_start3A_61 : memref<128x16xf32, #tpu.memory_space<vmem>>) offsets(%dma_start3A_64 : memref<128xi32, #tpu.memory_space<vmem>>) semaphore(%arg13 : memref<!tpu.dma_semaphore, #tpu.memory_space<semaphore_mem>>)
    %dma_start3A_68 = arith.constant 0 : i32
    %dma_start3A_69 = arith.constant 2 : i32
    %dma_start3A_70 = arith.constant 256 : i32
    %dma_start3A_71 = arith.constant 0 : i32
    %dma_start3A_72 = tpu.memref_slice %arg10[%dma_start3A_70, %dma_start3A_71] : memref<512x128xf32, #tpu.memory_space<vmem>> -> memref<128x128xf32, #tpu.memory_space<vmem>>
    %dma_start3A_73 = arith.constant 0 : i32
    %dma_start3A_74 = tpu.memref_slice %arg9[%dma_start3A_68, %dma_start3A_69, %dma_start3A_73] : memref<3x4x128xi32, #tpu.memory_space<vmem>> -> memref<1x1x128xi32, #tpu.memory_space<vmem>>
    %dma_start3A_75 = tpu.memref_squeeze %dma_start3A_74 : memref<1x1x128xi32, #tpu.memory_space<vmem>> -> memref<128xi32, #tpu.memory_space<vmem>>
    %dma_start3A_76 = arith.constant 0 : i32
    %dma_start3A_77 = arith.constant 0 : i32
    %dma_start3A_78 = tpu.memref_slice %arg3[%dma_start3A_76, %dma_start3A_77] : memref<65536x128xf32, #tpu.memory_space<hbm>> -> memref<65536x128xf32, #tpu.memory_space<hbm>>
    tpu.enqueue_indirect_dma source(%dma_start3A_78 : memref<65536x128xf32, #tpu.memory_space<hbm>>) target(%dma_start3A_72 : memref<128x128xf32, #tpu.memory_space<vmem>>) offsets(%dma_start3A_75 : memref<128xi32, #tpu.memory_space<vmem>>) semaphore(%arg13 : memref<!tpu.dma_semaphore, #tpu.memory_space<semaphore_mem>>)
    %dma_start3A_79 = arith.constant 1 : i32
    %dma_start3A_80 = arith.constant 2 : i32
    %dma_start3A_81 = arith.constant 256 : i32
    %dma_start3A_82 = arith.constant 0 : i32
    %dma_start3A_83 = tpu.memref_slice %arg11[%dma_start3A_81, %dma_start3A_82] : memref<512x32xf32, #tpu.memory_space<vmem>> -> memref<128x32xf32, #tpu.memory_space<vmem>>
    %dma_start3A_84 = arith.constant 0 : i32
    %dma_start3A_85 = tpu.memref_slice %arg9[%dma_start3A_79, %dma_start3A_80, %dma_start3A_84] : memref<3x4x128xi32, #tpu.memory_space<vmem>> -> memref<1x1x128xi32, #tpu.memory_space<vmem>>
    %dma_start3A_86 = tpu.memref_squeeze %dma_start3A_85 : memref<1x1x128xi32, #tpu.memory_space<vmem>> -> memref<128xi32, #tpu.memory_space<vmem>>
    %dma_start3A_87 = arith.constant 0 : i32
    %dma_start3A_88 = arith.constant 0 : i32
    %dma_start3A_89 = tpu.memref_slice %arg4[%dma_start3A_87, %dma_start3A_88] : memref<1001x32xf32, #tpu.memory_space<hbm>> -> memref<1001x32xf32, #tpu.memory_space<hbm>>
    tpu.enqueue_indirect_dma source(%dma_start3A_89 : memref<1001x32xf32, #tpu.memory_space<hbm>>) target(%dma_start3A_83 : memref<128x32xf32, #tpu.memory_space<vmem>>) offsets(%dma_start3A_86 : memref<128xi32, #tpu.memory_space<vmem>>) semaphore(%arg13 : memref<!tpu.dma_semaphore, #tpu.memory_space<semaphore_mem>>)
    %dma_start3A_90 = arith.constant 2 : i32
    %dma_start3A_91 = arith.constant 2 : i32
    %dma_start3A_92 = arith.constant 256 : i32
    %dma_start3A_93 = arith.constant 0 : i32
    %dma_start3A_94 = tpu.memref_slice %arg12[%dma_start3A_92, %dma_start3A_93] : memref<512x16xf32, #tpu.memory_space<vmem>> -> memref<128x16xf32, #tpu.memory_space<vmem>>
    %dma_start3A_95 = arith.constant 0 : i32
    %dma_start3A_96 = tpu.memref_slice %arg9[%dma_start3A_90, %dma_start3A_91, %dma_start3A_95] : memref<3x4x128xi32, #tpu.memory_space<vmem>> -> memref<1x1x128xi32, #tpu.memory_space<vmem>>
    %dma_start3A_97 = tpu.memref_squeeze %dma_start3A_96 : memref<1x1x128xi32, #tpu.memory_space<vmem>> -> memref<128xi32, #tpu.memory_space<vmem>>
    %dma_start3A_98 = arith.constant 0 : i32
    %dma_start3A_99 = arith.constant 0 : i32
    %dma_start3A_100 = tpu.memref_slice %arg5[%dma_start3A_98, %dma_start3A_99] : memref<201x16xf32, #tpu.memory_space<hbm>> -> memref<201x16xf32, #tpu.memory_space<hbm>>
    tpu.enqueue_indirect_dma source(%dma_start3A_100 : memref<201x16xf32, #tpu.memory_space<hbm>>) target(%dma_start3A_94 : memref<128x16xf32, #tpu.memory_space<vmem>>) offsets(%dma_start3A_97 : memref<128xi32, #tpu.memory_space<vmem>>) semaphore(%arg13 : memref<!tpu.dma_semaphore, #tpu.memory_space<semaphore_mem>>)
    %dma_start3A_101 = arith.constant 0 : i32
    %dma_start3A_102 = arith.constant 3 : i32
    %dma_start3A_103 = arith.constant 384 : i32
    %dma_start3A_104 = arith.constant 0 : i32
    %dma_start3A_105 = tpu.memref_slice %arg10[%dma_start3A_103, %dma_start3A_104] : memref<512x128xf32, #tpu.memory_space<vmem>> -> memref<128x128xf32, #tpu.memory_space<vmem>>
    %dma_start3A_106 = arith.constant 0 : i32
    %dma_start3A_107 = tpu.memref_slice %arg9[%dma_start3A_101, %dma_start3A_102, %dma_start3A_106] : memref<3x4x128xi32, #tpu.memory_space<vmem>> -> memref<1x1x128xi32, #tpu.memory_space<vmem>>
    %dma_start3A_108 = tpu.memref_squeeze %dma_start3A_107 : memref<1x1x128xi32, #tpu.memory_space<vmem>> -> memref<128xi32, #tpu.memory_space<vmem>>
    %dma_start3A_109 = arith.constant 0 : i32
    %dma_start3A_110 = arith.constant 0 : i32
    %dma_start3A_111 = tpu.memref_slice %arg3[%dma_start3A_109, %dma_start3A_110] : memref<65536x128xf32, #tpu.memory_space<hbm>> -> memref<65536x128xf32, #tpu.memory_space<hbm>>
    tpu.enqueue_indirect_dma source(%dma_start3A_111 : memref<65536x128xf32, #tpu.memory_space<hbm>>) target(%dma_start3A_105 : memref<128x128xf32, #tpu.memory_space<vmem>>) offsets(%dma_start3A_108 : memref<128xi32, #tpu.memory_space<vmem>>) semaphore(%arg13 : memref<!tpu.dma_semaphore, #tpu.memory_space<semaphore_mem>>)
    %dma_start3A_112 = arith.constant 1 : i32
    %dma_start3A_113 = arith.constant 3 : i32
    %dma_start3A_114 = arith.constant 384 : i32
    %dma_start3A_115 = arith.constant 0 : i32
    %dma_start3A_116 = tpu.memref_slice %arg11[%dma_start3A_114, %dma_start3A_115] : memref<512x32xf32, #tpu.memory_space<vmem>> -> memref<128x32xf32, #tpu.memory_space<vmem>>
    %dma_start3A_117 = arith.constant 0 : i32
    %dma_start3A_118 = tpu.memref_slice %arg9[%dma_start3A_112, %dma_start3A_113, %dma_start3A_117] : memref<3x4x128xi32, #tpu.memory_space<vmem>> -> memref<1x1x128xi32, #tpu.memory_space<vmem>>
    %dma_start3A_119 = tpu.memref_squeeze %dma_start3A_118 : memref<1x1x128xi32, #tpu.memory_space<vmem>> -> memref<128xi32, #tpu.memory_space<vmem>>
    %dma_start3A_120 = arith.constant 0 : i32
    %dma_start3A_121 = arith.constant 0 : i32
    %dma_start3A_122 = tpu.memref_slice %arg4[%dma_start3A_120, %dma_start3A_121] : memref<1001x32xf32, #tpu.memory_space<hbm>> -> memref<1001x32xf32, #tpu.memory_space<hbm>>
    tpu.enqueue_indirect_dma source(%dma_start3A_122 : memref<1001x32xf32, #tpu.memory_space<hbm>>) target(%dma_start3A_116 : memref<128x32xf32, #tpu.memory_space<vmem>>) offsets(%dma_start3A_119 : memref<128xi32, #tpu.memory_space<vmem>>) semaphore(%arg13 : memref<!tpu.dma_semaphore, #tpu.memory_space<semaphore_mem>>)
    %dma_start3A_123 = arith.constant 2 : i32
    %dma_start3A_124 = arith.constant 3 : i32
    %dma_start3A_125 = arith.constant 384 : i32
    %dma_start3A_126 = arith.constant 0 : i32
    %dma_start3A_127 = tpu.memref_slice %arg12[%dma_start3A_125, %dma_start3A_126] : memref<512x16xf32, #tpu.memory_space<vmem>> -> memref<128x16xf32, #tpu.memory_space<vmem>>
    %dma_start3A_128 = arith.constant 0 : i32
    %dma_start3A_129 = tpu.memref_slice %arg9[%dma_start3A_123, %dma_start3A_124, %dma_start3A_128] : memref<3x4x128xi32, #tpu.memory_space<vmem>> -> memref<1x1x128xi32, #tpu.memory_space<vmem>>
    %dma_start3A_130 = tpu.memref_squeeze %dma_start3A_129 : memref<1x1x128xi32, #tpu.memory_space<vmem>> -> memref<128xi32, #tpu.memory_space<vmem>>
    %dma_start3A_131 = arith.constant 0 : i32
    %dma_start3A_132 = arith.constant 0 : i32
    %dma_start3A_133 = tpu.memref_slice %arg5[%dma_start3A_131, %dma_start3A_132] : memref<201x16xf32, #tpu.memory_space<hbm>> -> memref<201x16xf32, #tpu.memory_space<hbm>>
    tpu.enqueue_indirect_dma source(%dma_start3A_133 : memref<201x16xf32, #tpu.memory_space<hbm>>) target(%dma_start3A_127 : memref<128x16xf32, #tpu.memory_space<vmem>>) offsets(%dma_start3A_130 : memref<128xi32, #tpu.memory_space<vmem>>) semaphore(%arg13 : memref<!tpu.dma_semaphore, #tpu.memory_space<semaphore_mem>>)
    %dma_wait3A = arith.constant 0 : i32
    %dma_wait3A_134 = arith.constant 0 : i32
    %dma_wait3A_135 = arith.constant 0 : i32
    %dma_wait3A_136 = arith.constant 0 : i32
    %dma_wait3A_137 = tpu.memref_slice %arg10[%dma_wait3A_135, %dma_wait3A_136] : memref<512x128xf32, #tpu.memory_space<vmem>> -> memref<128x128xf32, #tpu.memory_space<vmem>>
    %dma_wait3A_138 = arith.constant 0 : i32
    %dma_wait3A_139 = tpu.memref_slice %arg9[%dma_wait3A, %dma_wait3A_134, %dma_wait3A_138] : memref<3x4x128xi32, #tpu.memory_space<vmem>> -> memref<1x1x128xi32, #tpu.memory_space<vmem>>
    %dma_wait3A_140 = tpu.memref_squeeze %dma_wait3A_139 : memref<1x1x128xi32, #tpu.memory_space<vmem>> -> memref<128xi32, #tpu.memory_space<vmem>>
    %dma_wait3A_141 = arith.constant 0 : i32
    %dma_wait3A_142 = arith.constant 0 : i32
    %dma_wait3A_143 = tpu.memref_slice %arg3[%dma_wait3A_141, %dma_wait3A_142] : memref<65536x128xf32, #tpu.memory_space<hbm>> -> memref<65536x128xf32, #tpu.memory_space<hbm>>
    tpu.wait_indirect_dma semaphore(%arg13 : memref<!tpu.dma_semaphore, #tpu.memory_space<semaphore_mem>>) src(%dma_wait3A_143 : memref<65536x128xf32, #tpu.memory_space<hbm>>) dst(%dma_wait3A_137 : memref<128x128xf32, #tpu.memory_space<vmem>>)
    %dma_wait3A_144 = arith.constant 1 : i32
    %dma_wait3A_145 = arith.constant 0 : i32
    %dma_wait3A_146 = arith.constant 0 : i32
    %dma_wait3A_147 = arith.constant 0 : i32
    %dma_wait3A_148 = tpu.memref_slice %arg11[%dma_wait3A_146, %dma_wait3A_147] : memref<512x32xf32, #tpu.memory_space<vmem>> -> memref<128x32xf32, #tpu.memory_space<vmem>>
    %dma_wait3A_149 = arith.constant 0 : i32
    %dma_wait3A_150 = tpu.memref_slice %arg9[%dma_wait3A_144, %dma_wait3A_145, %dma_wait3A_149] : memref<3x4x128xi32, #tpu.memory_space<vmem>> -> memref<1x1x128xi32, #tpu.memory_space<vmem>>
    %dma_wait3A_151 = tpu.memref_squeeze %dma_wait3A_150 : memref<1x1x128xi32, #tpu.memory_space<vmem>> -> memref<128xi32, #tpu.memory_space<vmem>>
    %dma_wait3A_152 = arith.constant 0 : i32
    %dma_wait3A_153 = arith.constant 0 : i32
    %dma_wait3A_154 = tpu.memref_slice %arg4[%dma_wait3A_152, %dma_wait3A_153] : memref<1001x32xf32, #tpu.memory_space<hbm>> -> memref<1001x32xf32, #tpu.memory_space<hbm>>
    tpu.wait_indirect_dma semaphore(%arg13 : memref<!tpu.dma_semaphore, #tpu.memory_space<semaphore_mem>>) src(%dma_wait3A_154 : memref<1001x32xf32, #tpu.memory_space<hbm>>) dst(%dma_wait3A_148 : memref<128x32xf32, #tpu.memory_space<vmem>>)
    %dma_wait3A_155 = arith.constant 2 : i32
    %dma_wait3A_156 = arith.constant 0 : i32
    %dma_wait3A_157 = arith.constant 0 : i32
    %dma_wait3A_158 = arith.constant 0 : i32
    %dma_wait3A_159 = tpu.memref_slice %arg12[%dma_wait3A_157, %dma_wait3A_158] : memref<512x16xf32, #tpu.memory_space<vmem>> -> memref<128x16xf32, #tpu.memory_space<vmem>>
    %dma_wait3A_160 = arith.constant 0 : i32
    %dma_wait3A_161 = tpu.memref_slice %arg9[%dma_wait3A_155, %dma_wait3A_156, %dma_wait3A_160] : memref<3x4x128xi32, #tpu.memory_space<vmem>> -> memref<1x1x128xi32, #tpu.memory_space<vmem>>
    %dma_wait3A_162 = tpu.memref_squeeze %dma_wait3A_161 : memref<1x1x128xi32, #tpu.memory_space<vmem>> -> memref<128xi32, #tpu.memory_space<vmem>>
    %dma_wait3A_163 = arith.constant 0 : i32
    %dma_wait3A_164 = arith.constant 0 : i32
    %dma_wait3A_165 = tpu.memref_slice %arg5[%dma_wait3A_163, %dma_wait3A_164] : memref<201x16xf32, #tpu.memory_space<hbm>> -> memref<201x16xf32, #tpu.memory_space<hbm>>
    tpu.wait_indirect_dma semaphore(%arg13 : memref<!tpu.dma_semaphore, #tpu.memory_space<semaphore_mem>>) src(%dma_wait3A_165 : memref<201x16xf32, #tpu.memory_space<hbm>>) dst(%dma_wait3A_159 : memref<128x16xf32, #tpu.memory_space<vmem>>)
    %dma_wait3A_166 = arith.constant 0 : i32
    %dma_wait3A_167 = arith.constant 1 : i32
    %dma_wait3A_168 = arith.constant 128 : i32
    %dma_wait3A_169 = arith.constant 0 : i32
    %dma_wait3A_170 = tpu.memref_slice %arg10[%dma_wait3A_168, %dma_wait3A_169] : memref<512x128xf32, #tpu.memory_space<vmem>> -> memref<128x128xf32, #tpu.memory_space<vmem>>
    %dma_wait3A_171 = arith.constant 0 : i32
    %dma_wait3A_172 = tpu.memref_slice %arg9[%dma_wait3A_166, %dma_wait3A_167, %dma_wait3A_171] : memref<3x4x128xi32, #tpu.memory_space<vmem>> -> memref<1x1x128xi32, #tpu.memory_space<vmem>>
    %dma_wait3A_173 = tpu.memref_squeeze %dma_wait3A_172 : memref<1x1x128xi32, #tpu.memory_space<vmem>> -> memref<128xi32, #tpu.memory_space<vmem>>
    %dma_wait3A_174 = arith.constant 0 : i32
    %dma_wait3A_175 = arith.constant 0 : i32
    %dma_wait3A_176 = tpu.memref_slice %arg3[%dma_wait3A_174, %dma_wait3A_175] : memref<65536x128xf32, #tpu.memory_space<hbm>> -> memref<65536x128xf32, #tpu.memory_space<hbm>>
    tpu.wait_indirect_dma semaphore(%arg13 : memref<!tpu.dma_semaphore, #tpu.memory_space<semaphore_mem>>) src(%dma_wait3A_176 : memref<65536x128xf32, #tpu.memory_space<hbm>>) dst(%dma_wait3A_170 : memref<128x128xf32, #tpu.memory_space<vmem>>)
    %dma_wait3A_177 = arith.constant 1 : i32
    %dma_wait3A_178 = arith.constant 1 : i32
    %dma_wait3A_179 = arith.constant 128 : i32
    %dma_wait3A_180 = arith.constant 0 : i32
    %dma_wait3A_181 = tpu.memref_slice %arg11[%dma_wait3A_179, %dma_wait3A_180] : memref<512x32xf32, #tpu.memory_space<vmem>> -> memref<128x32xf32, #tpu.memory_space<vmem>>
    %dma_wait3A_182 = arith.constant 0 : i32
    %dma_wait3A_183 = tpu.memref_slice %arg9[%dma_wait3A_177, %dma_wait3A_178, %dma_wait3A_182] : memref<3x4x128xi32, #tpu.memory_space<vmem>> -> memref<1x1x128xi32, #tpu.memory_space<vmem>>
    %dma_wait3A_184 = tpu.memref_squeeze %dma_wait3A_183 : memref<1x1x128xi32, #tpu.memory_space<vmem>> -> memref<128xi32, #tpu.memory_space<vmem>>
    %dma_wait3A_185 = arith.constant 0 : i32
    %dma_wait3A_186 = arith.constant 0 : i32
    %dma_wait3A_187 = tpu.memref_slice %arg4[%dma_wait3A_185, %dma_wait3A_186] : memref<1001x32xf32, #tpu.memory_space<hbm>> -> memref<1001x32xf32, #tpu.memory_space<hbm>>
    tpu.wait_indirect_dma semaphore(%arg13 : memref<!tpu.dma_semaphore, #tpu.memory_space<semaphore_mem>>) src(%dma_wait3A_187 : memref<1001x32xf32, #tpu.memory_space<hbm>>) dst(%dma_wait3A_181 : memref<128x32xf32, #tpu.memory_space<vmem>>)
    %dma_wait3A_188 = arith.constant 2 : i32
    %dma_wait3A_189 = arith.constant 1 : i32
    %dma_wait3A_190 = arith.constant 128 : i32
    %dma_wait3A_191 = arith.constant 0 : i32
    %dma_wait3A_192 = tpu.memref_slice %arg12[%dma_wait3A_190, %dma_wait3A_191] : memref<512x16xf32, #tpu.memory_space<vmem>> -> memref<128x16xf32, #tpu.memory_space<vmem>>
    %dma_wait3A_193 = arith.constant 0 : i32
    %dma_wait3A_194 = tpu.memref_slice %arg9[%dma_wait3A_188, %dma_wait3A_189, %dma_wait3A_193] : memref<3x4x128xi32, #tpu.memory_space<vmem>> -> memref<1x1x128xi32, #tpu.memory_space<vmem>>
    %dma_wait3A_195 = tpu.memref_squeeze %dma_wait3A_194 : memref<1x1x128xi32, #tpu.memory_space<vmem>> -> memref<128xi32, #tpu.memory_space<vmem>>
    %dma_wait3A_196 = arith.constant 0 : i32
    %dma_wait3A_197 = arith.constant 0 : i32
    %dma_wait3A_198 = tpu.memref_slice %arg5[%dma_wait3A_196, %dma_wait3A_197] : memref<201x16xf32, #tpu.memory_space<hbm>> -> memref<201x16xf32, #tpu.memory_space<hbm>>
    tpu.wait_indirect_dma semaphore(%arg13 : memref<!tpu.dma_semaphore, #tpu.memory_space<semaphore_mem>>) src(%dma_wait3A_198 : memref<201x16xf32, #tpu.memory_space<hbm>>) dst(%dma_wait3A_192 : memref<128x16xf32, #tpu.memory_space<vmem>>)
    %dma_wait3A_199 = arith.constant 0 : i32
    %dma_wait3A_200 = arith.constant 2 : i32
    %dma_wait3A_201 = arith.constant 256 : i32
    %dma_wait3A_202 = arith.constant 0 : i32
    %dma_wait3A_203 = tpu.memref_slice %arg10[%dma_wait3A_201, %dma_wait3A_202] : memref<512x128xf32, #tpu.memory_space<vmem>> -> memref<128x128xf32, #tpu.memory_space<vmem>>
    %dma_wait3A_204 = arith.constant 0 : i32
    %dma_wait3A_205 = tpu.memref_slice %arg9[%dma_wait3A_199, %dma_wait3A_200, %dma_wait3A_204] : memref<3x4x128xi32, #tpu.memory_space<vmem>> -> memref<1x1x128xi32, #tpu.memory_space<vmem>>
    %dma_wait3A_206 = tpu.memref_squeeze %dma_wait3A_205 : memref<1x1x128xi32, #tpu.memory_space<vmem>> -> memref<128xi32, #tpu.memory_space<vmem>>
    %dma_wait3A_207 = arith.constant 0 : i32
    %dma_wait3A_208 = arith.constant 0 : i32
    %dma_wait3A_209 = tpu.memref_slice %arg3[%dma_wait3A_207, %dma_wait3A_208] : memref<65536x128xf32, #tpu.memory_space<hbm>> -> memref<65536x128xf32, #tpu.memory_space<hbm>>
    tpu.wait_indirect_dma semaphore(%arg13 : memref<!tpu.dma_semaphore, #tpu.memory_space<semaphore_mem>>) src(%dma_wait3A_209 : memref<65536x128xf32, #tpu.memory_space<hbm>>) dst(%dma_wait3A_203 : memref<128x128xf32, #tpu.memory_space<vmem>>)
    %dma_wait3A_210 = arith.constant 1 : i32
    %dma_wait3A_211 = arith.constant 2 : i32
    %dma_wait3A_212 = arith.constant 256 : i32
    %dma_wait3A_213 = arith.constant 0 : i32
    %dma_wait3A_214 = tpu.memref_slice %arg11[%dma_wait3A_212, %dma_wait3A_213] : memref<512x32xf32, #tpu.memory_space<vmem>> -> memref<128x32xf32, #tpu.memory_space<vmem>>
    %dma_wait3A_215 = arith.constant 0 : i32
    %dma_wait3A_216 = tpu.memref_slice %arg9[%dma_wait3A_210, %dma_wait3A_211, %dma_wait3A_215] : memref<3x4x128xi32, #tpu.memory_space<vmem>> -> memref<1x1x128xi32, #tpu.memory_space<vmem>>
    %dma_wait3A_217 = tpu.memref_squeeze %dma_wait3A_216 : memref<1x1x128xi32, #tpu.memory_space<vmem>> -> memref<128xi32, #tpu.memory_space<vmem>>
    %dma_wait3A_218 = arith.constant 0 : i32
    %dma_wait3A_219 = arith.constant 0 : i32
    %dma_wait3A_220 = tpu.memref_slice %arg4[%dma_wait3A_218, %dma_wait3A_219] : memref<1001x32xf32, #tpu.memory_space<hbm>> -> memref<1001x32xf32, #tpu.memory_space<hbm>>
    tpu.wait_indirect_dma semaphore(%arg13 : memref<!tpu.dma_semaphore, #tpu.memory_space<semaphore_mem>>) src(%dma_wait3A_220 : memref<1001x32xf32, #tpu.memory_space<hbm>>) dst(%dma_wait3A_214 : memref<128x32xf32, #tpu.memory_space<vmem>>)
    %dma_wait3A_221 = arith.constant 2 : i32
    %dma_wait3A_222 = arith.constant 2 : i32
    %dma_wait3A_223 = arith.constant 256 : i32
    %dma_wait3A_224 = arith.constant 0 : i32
    %dma_wait3A_225 = tpu.memref_slice %arg12[%dma_wait3A_223, %dma_wait3A_224] : memref<512x16xf32, #tpu.memory_space<vmem>> -> memref<128x16xf32, #tpu.memory_space<vmem>>
    %dma_wait3A_226 = arith.constant 0 : i32
    %dma_wait3A_227 = tpu.memref_slice %arg9[%dma_wait3A_221, %dma_wait3A_222, %dma_wait3A_226] : memref<3x4x128xi32, #tpu.memory_space<vmem>> -> memref<1x1x128xi32, #tpu.memory_space<vmem>>
    %dma_wait3A_228 = tpu.memref_squeeze %dma_wait3A_227 : memref<1x1x128xi32, #tpu.memory_space<vmem>> -> memref<128xi32, #tpu.memory_space<vmem>>
    %dma_wait3A_229 = arith.constant 0 : i32
    %dma_wait3A_230 = arith.constant 0 : i32
    %dma_wait3A_231 = tpu.memref_slice %arg5[%dma_wait3A_229, %dma_wait3A_230] : memref<201x16xf32, #tpu.memory_space<hbm>> -> memref<201x16xf32, #tpu.memory_space<hbm>>
    tpu.wait_indirect_dma semaphore(%arg13 : memref<!tpu.dma_semaphore, #tpu.memory_space<semaphore_mem>>) src(%dma_wait3A_231 : memref<201x16xf32, #tpu.memory_space<hbm>>) dst(%dma_wait3A_225 : memref<128x16xf32, #tpu.memory_space<vmem>>)
    %dma_wait3A_232 = arith.constant 0 : i32
    %dma_wait3A_233 = arith.constant 3 : i32
    %dma_wait3A_234 = arith.constant 384 : i32
    %dma_wait3A_235 = arith.constant 0 : i32
    %dma_wait3A_236 = tpu.memref_slice %arg10[%dma_wait3A_234, %dma_wait3A_235] : memref<512x128xf32, #tpu.memory_space<vmem>> -> memref<128x128xf32, #tpu.memory_space<vmem>>
    %dma_wait3A_237 = arith.constant 0 : i32
    %dma_wait3A_238 = tpu.memref_slice %arg9[%dma_wait3A_232, %dma_wait3A_233, %dma_wait3A_237] : memref<3x4x128xi32, #tpu.memory_space<vmem>> -> memref<1x1x128xi32, #tpu.memory_space<vmem>>
    %dma_wait3A_239 = tpu.memref_squeeze %dma_wait3A_238 : memref<1x1x128xi32, #tpu.memory_space<vmem>> -> memref<128xi32, #tpu.memory_space<vmem>>
    %dma_wait3A_240 = arith.constant 0 : i32
    %dma_wait3A_241 = arith.constant 0 : i32
    %dma_wait3A_242 = tpu.memref_slice %arg3[%dma_wait3A_240, %dma_wait3A_241] : memref<65536x128xf32, #tpu.memory_space<hbm>> -> memref<65536x128xf32, #tpu.memory_space<hbm>>
    tpu.wait_indirect_dma semaphore(%arg13 : memref<!tpu.dma_semaphore, #tpu.memory_space<semaphore_mem>>) src(%dma_wait3A_242 : memref<65536x128xf32, #tpu.memory_space<hbm>>) dst(%dma_wait3A_236 : memref<128x128xf32, #tpu.memory_space<vmem>>)
    %dma_wait3A_243 = arith.constant 1 : i32
    %dma_wait3A_244 = arith.constant 3 : i32
    %dma_wait3A_245 = arith.constant 384 : i32
    %dma_wait3A_246 = arith.constant 0 : i32
    %dma_wait3A_247 = tpu.memref_slice %arg11[%dma_wait3A_245, %dma_wait3A_246] : memref<512x32xf32, #tpu.memory_space<vmem>> -> memref<128x32xf32, #tpu.memory_space<vmem>>
    %dma_wait3A_248 = arith.constant 0 : i32
    %dma_wait3A_249 = tpu.memref_slice %arg9[%dma_wait3A_243, %dma_wait3A_244, %dma_wait3A_248] : memref<3x4x128xi32, #tpu.memory_space<vmem>> -> memref<1x1x128xi32, #tpu.memory_space<vmem>>
    %dma_wait3A_250 = tpu.memref_squeeze %dma_wait3A_249 : memref<1x1x128xi32, #tpu.memory_space<vmem>> -> memref<128xi32, #tpu.memory_space<vmem>>
    %dma_wait3A_251 = arith.constant 0 : i32
    %dma_wait3A_252 = arith.constant 0 : i32
    %dma_wait3A_253 = tpu.memref_slice %arg4[%dma_wait3A_251, %dma_wait3A_252] : memref<1001x32xf32, #tpu.memory_space<hbm>> -> memref<1001x32xf32, #tpu.memory_space<hbm>>
    tpu.wait_indirect_dma semaphore(%arg13 : memref<!tpu.dma_semaphore, #tpu.memory_space<semaphore_mem>>) src(%dma_wait3A_253 : memref<1001x32xf32, #tpu.memory_space<hbm>>) dst(%dma_wait3A_247 : memref<128x32xf32, #tpu.memory_space<vmem>>)
    %dma_wait3A_254 = arith.constant 2 : i32
    %dma_wait3A_255 = arith.constant 3 : i32
    %dma_wait3A_256 = arith.constant 384 : i32
    %dma_wait3A_257 = arith.constant 0 : i32
    %dma_wait3A_258 = tpu.memref_slice %arg12[%dma_wait3A_256, %dma_wait3A_257] : memref<512x16xf32, #tpu.memory_space<vmem>> -> memref<128x16xf32, #tpu.memory_space<vmem>>
    %dma_wait3A_259 = arith.constant 0 : i32
    %dma_wait3A_260 = tpu.memref_slice %arg9[%dma_wait3A_254, %dma_wait3A_255, %dma_wait3A_259] : memref<3x4x128xi32, #tpu.memory_space<vmem>> -> memref<1x1x128xi32, #tpu.memory_space<vmem>>
    %dma_wait3A_261 = tpu.memref_squeeze %dma_wait3A_260 : memref<1x1x128xi32, #tpu.memory_space<vmem>> -> memref<128xi32, #tpu.memory_space<vmem>>
    %dma_wait3A_262 = arith.constant 0 : i32
    %dma_wait3A_263 = arith.constant 0 : i32
    %dma_wait3A_264 = tpu.memref_slice %arg5[%dma_wait3A_262, %dma_wait3A_263] : memref<201x16xf32, #tpu.memory_space<hbm>> -> memref<201x16xf32, #tpu.memory_space<hbm>>
    tpu.wait_indirect_dma semaphore(%arg13 : memref<!tpu.dma_semaphore, #tpu.memory_space<semaphore_mem>>) src(%dma_wait3A_264 : memref<201x16xf32, #tpu.memory_space<hbm>>) dst(%dma_wait3A_258 : memref<128x16xf32, #tpu.memory_space<vmem>>)
    "tpu.region"() ({
      %run_scoped3A = tpu.sem_alloc : memref<!tpu.dma_semaphore, #tpu.memory_space<semaphore_mem>>
      %dma_start3A_265 = arith.constant 0 : i32
      %dma_start3A_266 = tpu.memref_slice %arg6[%mul3A_2, %dma_start3A_265] : memref<16384x128xf32, #tpu.memory_space<hbm>> -> memref<512x128xf32, #tpu.memory_space<hbm>>
      %dma_start3A_267 = arith.constant 0 : i32
      %dma_start3A_268 = tpu.memref_slice %arg6[%mul3A_2, %dma_start3A_267] : memref<16384x128xf32, #tpu.memory_space<hbm>> -> memref<512x128xf32, #tpu.memory_space<hbm>>
      tpu.enqueue_dma source(%arg10 : memref<512x128xf32, #tpu.memory_space<vmem>>) target(%dma_start3A_268 : memref<512x128xf32, #tpu.memory_space<hbm>>) target_semaphore(%run_scoped3A : memref<!tpu.dma_semaphore, #tpu.memory_space<semaphore_mem>>)
      %dma_wait3A_269 = arith.constant 0 : i32
      %dma_wait3A_270 = tpu.memref_slice %arg6[%mul3A_2, %dma_wait3A_269] : memref<16384x128xf32, #tpu.memory_space<hbm>> -> memref<512x128xf32, #tpu.memory_space<hbm>>
      %dma_wait3A_271 = arith.constant 0 : i32
      %dma_wait3A_272 = tpu.memref_slice %arg6[%mul3A_2, %dma_wait3A_271] : memref<16384x128xf32, #tpu.memory_space<hbm>> -> memref<512x128xf32, #tpu.memory_space<hbm>>
      tpu.wait_dma2 semaphore(%run_scoped3A : memref<!tpu.dma_semaphore, #tpu.memory_space<semaphore_mem>>) src(%arg10 : memref<512x128xf32, #tpu.memory_space<vmem>>) dst(%dma_wait3A_272 : memref<512x128xf32, #tpu.memory_space<hbm>>)
      tpu.yield
    }) : () -> ()
    "tpu.region"() ({
      %run_scoped3A = tpu.sem_alloc : memref<!tpu.dma_semaphore, #tpu.memory_space<semaphore_mem>>
      %dma_start3A_265 = arith.constant 0 : i32
      %dma_start3A_266 = tpu.memref_slice %arg7[%mul3A_2, %dma_start3A_265] : memref<16384x32xf32, #tpu.memory_space<hbm>> -> memref<512x32xf32, #tpu.memory_space<hbm>>
      %dma_start3A_267 = arith.constant 0 : i32
      %dma_start3A_268 = tpu.memref_slice %arg7[%mul3A_2, %dma_start3A_267] : memref<16384x32xf32, #tpu.memory_space<hbm>> -> memref<512x32xf32, #tpu.memory_space<hbm>>
      tpu.enqueue_dma source(%arg11 : memref<512x32xf32, #tpu.memory_space<vmem>>) target(%dma_start3A_268 : memref<512x32xf32, #tpu.memory_space<hbm>>) target_semaphore(%run_scoped3A : memref<!tpu.dma_semaphore, #tpu.memory_space<semaphore_mem>>)
      %dma_wait3A_269 = arith.constant 0 : i32
      %dma_wait3A_270 = tpu.memref_slice %arg7[%mul3A_2, %dma_wait3A_269] : memref<16384x32xf32, #tpu.memory_space<hbm>> -> memref<512x32xf32, #tpu.memory_space<hbm>>
      %dma_wait3A_271 = arith.constant 0 : i32
      %dma_wait3A_272 = tpu.memref_slice %arg7[%mul3A_2, %dma_wait3A_271] : memref<16384x32xf32, #tpu.memory_space<hbm>> -> memref<512x32xf32, #tpu.memory_space<hbm>>
      tpu.wait_dma2 semaphore(%run_scoped3A : memref<!tpu.dma_semaphore, #tpu.memory_space<semaphore_mem>>) src(%arg11 : memref<512x32xf32, #tpu.memory_space<vmem>>) dst(%dma_wait3A_272 : memref<512x32xf32, #tpu.memory_space<hbm>>)
      tpu.yield
    }) : () -> ()
    "tpu.region"() ({
      %run_scoped3A = tpu.sem_alloc : memref<!tpu.dma_semaphore, #tpu.memory_space<semaphore_mem>>
      %dma_start3A_265 = arith.constant 0 : i32
      %dma_start3A_266 = tpu.memref_slice %arg8[%mul3A_2, %dma_start3A_265] : memref<16384x16xf32, #tpu.memory_space<hbm>> -> memref<512x16xf32, #tpu.memory_space<hbm>>
      %dma_start3A_267 = arith.constant 0 : i32
      %dma_start3A_268 = tpu.memref_slice %arg8[%mul3A_2, %dma_start3A_267] : memref<16384x16xf32, #tpu.memory_space<hbm>> -> memref<512x16xf32, #tpu.memory_space<hbm>>
      tpu.enqueue_dma source(%arg12 : memref<512x16xf32, #tpu.memory_space<vmem>>) target(%dma_start3A_268 : memref<512x16xf32, #tpu.memory_space<hbm>>) target_semaphore(%run_scoped3A : memref<!tpu.dma_semaphore, #tpu.memory_space<semaphore_mem>>)
      %dma_wait3A_269 = arith.constant 0 : i32
      %dma_wait3A_270 = tpu.memref_slice %arg8[%mul3A_2, %dma_wait3A_269] : memref<16384x16xf32, #tpu.memory_space<hbm>> -> memref<512x16xf32, #tpu.memory_space<hbm>>
      %dma_wait3A_271 = arith.constant 0 : i32
      %dma_wait3A_272 = tpu.memref_slice %arg8[%mul3A_2, %dma_wait3A_271] : memref<16384x16xf32, #tpu.memory_space<hbm>> -> memref<512x16xf32, #tpu.memory_space<hbm>>
      tpu.wait_dma2 semaphore(%run_scoped3A : memref<!tpu.dma_semaphore, #tpu.memory_space<semaphore_mem>>) src(%arg12 : memref<512x16xf32, #tpu.memory_space<vmem>>) dst(%dma_wait3A_272 : memref<512x16xf32, #tpu.memory_space<hbm>>)
      tpu.yield
    }) : () -> ()
    return
  }
}

</mosaic_0001>

<sc_bundles>
// kernel: _sc_small.3.cloned.1.call-start
scs
__scs_entry_jumppad:
0x0: {  	(pc) =	sbr.rel $0x88, $3  }
0x1: {  	(tag) =	ssettag $0x0;
	lr =	simm.s32 $0x1  }
0x2: {  	[smem:$0x3F9D] =	sst lr;
	_ =	strace $0xD0000000  }
0x3: {  	_ = 	snop  }
0x4: {  	_ = 	snop  }
0x5: {  	_ = 	snop  }
0x6: {  	_ = 	snop  }
0x7: {  	_ = 	snop  }
__scs_overlays_trampoline_lowered:
0x8: {  	[smem:$0x3FAC] =	sst s0  }
0x9: {  	[smem:$0x3FAD] =	sst s1  }
0xa: {  	[smem:$0x3FAE] =	sst s2  }
0xb: {  	[smem:$0x3FAF] =	sst s3  }
0xc: {  	[smem:$0x3FB0] =	sst s4  }
0xd: {  	[smem:$0x3FB1] =	sst s5  }
0xe: {  	[smem:$0x3FB2] =	sst s6  }
0xf: {  	[smem:$0x3FB3] =	sst s7  }
0x10: {  	[smem:$0x3FB4] =	sst s8  }
0x11: {  	[smem:$0x3FB5] =	sst s9;
	s0 =	simm.s32 @!p0 $0x0  }
0x12: {  	s1 =	sld [smem:$0x3F9B];
	s0 =	simm.s32 @p0 $0x1  }
0x13: {  	[smem:$0x3FB6] =	sst s0;
	s0 =	simm.s32 @!p1 $0x0  }
0x14: {  	s2 =	sld [smem:$0x3F9A];
	s0 =	simm.s32 @p1 $0x1  }
0x15: {  	[smem:$0x3FB7] =	sst s0;
	s0 =	simm.s32 @!p2 $0x0  }
0x16: {  	s3 =	sld [smem:$0x3FDB];
	s0 =	simm.s32 @p2 $0x1  }
0x17: {  	s4 =	simm.s32 $0x1BF5;
	[smem:$0x3FB9] =	sst s0  }
0x18: {  	s0 =	sld [smem:$0x3F9C];
	_ =	swait.ge [sflag:s4], $0x0  }
0x19: {  	s7 =	sld [smem:$0x3F9D]  }
0x1a: {  	s8 =	sadd.s32 $0xFFFFE003, lr  }
0x1b: {  	s9 =	sadd.s32 $0xFFFFFEF7, lr;
	s5 =	simm.s32 $0xFFFFFFFF;
	p2 =	slt.u32 s8, $0xFFFFF086  }
0x1c: {  	p1 =	slt.u32 s9, $0xF7A;
	s5 =	simm.s32 @!p2 $0x0  }
0x1d: {  	s5 =	simm.s32 @p1 $0x1;
	p0 =	seq.s32 s7, s2  }
0x1e: {  	s7 =	smul.u32 @!p0 $0xF7A, s2;
	p2 =	seq.s32 @!p0 s5, $0x0  }
0x1f: {  	s9 =	smul.u32 $0xF7A, s1;
	s8 =	simm.s32 @!p0 $0x1BF5;
	p2 =	por !p2, p0  }
0x20: {  	[sflag:s8] =	ssyncset.s32 @!p0 $0xFFFFF086;
	s6 =	sadd.s32 @!p0 s3, s7;
	s7 =	simm.s32 @!p0 $0x108  }
0x21: {  	s3 =	sadd.s32 s3, s9;
	s6 =	sadd.s32 @!p0 $0x88, s6;
	s7 =	simm.s32 @p2 $0x1082  }
0x22: {  	[simem:s7], [sflag:s8] =	dma.local @!p0 [hbm:s6], $0xF7A  }
0x23: {  	s9 =	sor.u32 $0xD0000000, s2;
	s6 =	simm.s32 $0x108;
	_ =	swait.ge @!p0 [sflag:s8], $0x0  }
0x24: {  	s3 =	sadd.s32 $0x88, s3;
	s6 =	simm.s32 @!p1 $0x1082;
	[sflag:s4] =	ssyncset.s32 $0xFFFFF086  }
0x25: {  	[simem:s6], [sflag:s4] =	dma.local [hbm:s3], $0xF7A  }
0x26: {  	[smem:$0x3F9D] =	sst s1;
	(tag) =	ssettag s2;
	_ =	strace s9  }
0x27: {  	s1 =	sld [smem:$0x3FAD]  }
0x28: {  	s2 =	sld [smem:$0x3FAE]  }
0x29: {  	s4 =	sld [smem:$0x3FB0]  }
0x2a: {  	p0 =	seq.s32 s5, $0x0;
	s5 =	sld [smem:$0x3FB1]  }
0x2b: {  	s6 =	sld [smem:$0x3FB2]  }
0x2c: {  	s7 =	sld [smem:$0x3FB3]  }
0x2d: {  	s3 =	simm.s32 $0x108;
	s8 =	sld [smem:$0x3FB4]  }
0x2e: {  	s3 =	simm.s32 @!p0 $0x1082;
	s9 =	sld [smem:$0x3FB5]  }
0x2f: {  	lr =	sadd.s32 s0, s3;
	s0 =	sld [smem:$0x3FAC]  }
0x30: {  	s3 =	sld [smem:$0x3FAF]  }
0x31: {  	[smem:$0x3FB8] =	sst s10  }
0x32: {  	s10 =	sld [smem:$0x3FB6];
	_ =	sdelay $0x3  }
0x33: {  	p0 =	seq.s32 s10, $0x1;
	s10 =	sld [smem:$0x3FB8];
	_ =	sdelay $0x3  }
0x34: {  	[smem:$0x3FB8] =	sst s10  }
0x35: {  	s10 =	sld [smem:$0x3FB7];
	_ =	sdelay $0x3  }
0x36: {  	p1 =	seq.s32 s10, $0x1;
	s10 =	sld [smem:$0x3FB8];
	_ =	sdelay $0x3  }
0x37: {  	[smem:$0x3FB8] =	sst s10  }
0x38: {  	s10 =	sld [smem:$0x3FB9]  }
0x39: {  	_ = 	snop;
	(pc) =	sbr.ind lr, $3  }
0x3a: {  	_ = 	snop  }
0x3b: {  	_ = 	snop  }
0x3c: {  	p2 =	seq.s32 s10, $0x1;
	s10 =	sld [smem:$0x3FB8]  }
0x3d: {  	_ =	shalt  }
0x3e: {  	_ =	shalt  }
0x3f: {  	_ =	shalt  }
0x40: {  	_ =	shalt  }
0x41: {  	_ =	shalt  }
0x42: {  	_ =	shalt  }
0x43: {  	_ =	shalt  }
0x44: {  	_ =	shalt  }
0x45: {  	_ =	shalt  }
0x46: {  	_ =	shalt  }
0x47: {  	_ =	shalt  }
0x48: {  	_ =	shalt  }
0x49: {  	_ =	shalt  }
0x4a: {  	_ =	shalt  }
0x4b: {  	_ =	shalt  }
0x4c: {  	_ =	shalt  }
0x4d: {  	_ =	shalt  }
0x4e: {  	_ =	shalt  }
0x4f: {  	_ =	shalt  }
0x50: {  	_ =	shalt  }
0x51: {  	_ =	shalt  }
0x52: {  	_ =	shalt  }
0x53: {  	_ =	shalt  }
0x54: {  	_ =	shalt  }
0x55: {  	_ =	shalt  }
0x56: {  	_ =	shalt  }
0x57: {  	_ =	shalt  }
0x58: {  	_ =	shalt  }
0x59: {  	_ =	shalt  }
0x5a: {  	_ =	shalt  }
0x5b: {  	_ =	shalt  }
0x5c: {  	_ =	shalt  }
0x5d: {  	_ =	shalt  }
0x5e: {  	_ =	shalt  }
0x5f: {  	_ =	shalt  }
0x60: {  	_ =	shalt  }
0x61: {  	_ =	shalt  }
0x62: {  	_ =	shalt  }
0x63: {  	_ =	shalt  }
0x64: {  	_ =	shalt  }
0x65: {  	_ =	shalt  }
0x66: {  	_ =	shalt  }
0x67: {  	_ =	shalt  }
0x68: {  	_ =	shalt  }
0x69: {  	_ =	shalt  }
0x6a: {  	_ =	shalt  }
0x6b: {  	_ =	shalt  }
0x6c: {  	_ =	shalt  }
0x6d: {  	_ =	shalt  }
0x6e: {  	_ =	shalt  }
0x6f: {  	_ =	shalt  }
0x70: {  	_ =	shalt  }
0x71: {  	_ =	shalt  }
0x72: {  	_ =	shalt  }
0x73: {  	_ =	shalt  }
0x74: {  	_ =	shalt  }
0x75: {  	_ =	shalt  }
0x76: {  	_ =	shalt  }
0x77: {  	_ =	shalt  }
0x78: {  	_ =	shalt  }
0x79: {  	_ =	shalt  }
0x7a: {  	_ =	shalt  }
0x7b: {  	_ =	shalt  }
0x7c: {  	_ =	shalt  }
0x7d: {  	_ =	shalt  }
0x7e: {  	_ =	shalt  }
0x7f: {  	_ =	shalt  }
0x80: {  	_ =	shalt  }
0x81: {  	_ =	shalt  }
0x82: {  	_ =	shalt  }
0x83: {  	_ =	shalt  }
0x84: {  	_ =	shalt  }
0x85: {  	_ =	shalt  }
0x86: {  	_ =	shalt  }
0x87: {  	_ =	shalt  }
.Lfunc_end0:
.L_simem_size_0:
called_computation_lowered:
.L_overlay_start_0:
0x88: {  	s2 =	sld [smem:$0x3FD9]  }
0x89: {  	s3 =	sld [smem:$0x3FFE];
	_ =	sdelay $0x1  }
0x8a: {  	s1 =	srdreg.scid  }
0x8b: {  	s0 =	sand.u32 $0x1, s1  }
0x8c: {  	s14 =	sshll.u32 s0, $0xA;
	s2 =	sadd.s32 s3, s2  }
0x8d: {  	s2 =	sadd.s32 s2, s14  }
0x8e: {  	[smem:$0x3FC4] =	sst s2  }
0x8f: {  	_ = 	snop  }
0x90: {  	s2 =	sld [smem:$0x3FD0];
	_ =	sdelay $0x1  }
0x91: {  	s15 =	sld [smem:$0x3FC9]  }
0x92: {  	s5 =	simm.s32 $0xA;
	s6 =	simm.s32 $0x10;
	s4 =	sld [smem:$0x3FC8]  }
0x93: {  	[smem:s6], [sflag:s5] =	dma.local [hbm:s2], $0x1  }
0x94: {  	_ =	swait.eq [sflag:s5], $0x1  }
0x95: {  	s16 =	sld [smem:$0x10];
	[sflag:s5] =	ssyncset.done $0x0  }
0x96: {  	s17 =	sld [smem:$0x11];
	[sflag:s5] =	ssyncadd.s32 $0xFFFFFFFF  }
0x97: {  	s18 =	sld [smem:$0x12];
	(tm) =	ssettm $0x1  }
0x98: {  	s7 =	sld [smem:$0x3FFB];
	_ =	sdelay $0x3  }
0x99: {  	_ =	strace s7  }
0x9a: {  	s7 =	sld [smem:$0x3FFC];
	_ =	sdelay $0x3  }
0x9b: {  	_ =	strace s7  }
0x9c: {  	s7 =	sld [smem:$0x3FFD];
	_ =	sdelay $0x3  }
0x9d: {  	_ =	strace s7  }
0x9e: {  	_ =	strace $0x8FFFFFFF  }
0x9f: {  	s19 =	sld [smem:$0x3FDB];
	_ =	sdelay $0x1  }
0xa0: {  	s8 =	simm.s32 $_scs_section_size  }
0xa1: {  	s9 =	simm.s32 $_size__tile_overlayer_lowered;
	s10 =	simm.s32 $_tile_overlayer_lowered  }
0xa2: {  	s22 =	simm.s32 $0x1BFF;
	s21 =	sshll.u32 s10, $0x1;
	s7 =	sadd.s32 s8, s19  }
0xa3: {  	s11 =	simm.s32 $0x0;
	s20 =	sshll.u32 s9, $0x1;
	s9 =	sadd.s32 s21, s7  }
0xa4: {  	[timem:s11], [sflag:s22] =	dma.local [hbm:s9], s20  }
0xa5: {  	_ =	swait.ge [sflag:s22], s20  }
0xa6: {  	s8 =	ssub.s32 $0x0, s20;
	[sflag:s22] =	ssyncset.done $0x0  }
0xa7: {  	[sflag:s22] =	ssyncadd.s32 s8;
	_ =	sdelay $0x1  }
0xa8: {  	s23 =	simm.s32 $0x1B8B  }
0xa9: {  	_ =	swait.ge [sflag:s23], $0x1  }
0xaa: {  	[sflag:s23] =	ssyncset.done $0x0  }
0xab: {  	s25 =	simm.s32 $0x1B8E;
	s24 =	sld [smem:$0x3FFE];
	[sflag:s23] =	ssyncadd.s32 $0xFFFFFFFF  }
0xac: {  	s26 =	simm.s32 $execute0_lowered;
	[smem:$0x3FD2] =	sst s25  }
0xad: {  	s9 =	sshll.u32 s26, $0x1;
	_ =	strace $0x80000046;
	[dreg:$0x1] =	wrdreg $0xFFFFFFFF  }
0xae: {  	s28 =	simm.s32 $_size_execute0_lowered;
	s7 =	sadd.s32 s7, s9;
	[dreg:$0x0] =	wrdreg $0x0  }
0xaf: {  	s9 =	sshll.u32 s28, $0x1;
	[dreg:$0x2] =	wrdreg s7  }
0xb0: {  	[dreg:$0x3] =	wrdreg s9  }
0xb1: {  	[dreg:$0x4] =	wrdreg $0xC0  }
0xb2: {  	_ =	task [dreg:s11], $0x5FFFF  }
0xb3: {  	[dreg:$0x1] =	wrdreg $0xFFFFFFFF  }
0xb4: {  	[dreg:$0x0] =	wrdreg $0x60  }
0xb5: {  	[dreg:$0x2] =	wrdreg s15  }
0xb6: {  	[dreg:$0x3] =	wrdreg s4  }
0xb7: {  	[dreg:$0x4] =	wrdreg s24  }
0xb8: {  	[dreg:$0x5] =	wrdreg s16  }
0xb9: {  	[dreg:$0x6] =	wrdreg s17  }
0xba: {  	[dreg:$0x7] =	wrdreg s18  }
0xbb: {  	[dreg:$0x8] =	wrdreg $0x9  }
0xbc: {  	_ =	task.clear_ibuf [dreg:s11], $0x9FFFF;
	_ =	strace $0x90000046  }
0xbd: {  	s29 =	simm.s32 $0x9;
	_ =	strace $0x80000048  }
0xbe: {  	_ =	swait.ge [sflag:s29], $0x1  }
0xbf: {  	[sflag:s29] =	ssyncadd.s32 $0xFFFFFFFF  }
0xc0: {  	_ =	strace $0x90000048  }
0xc1: {  	_ =	sfence  }
0xc2: {  	s30 =	sld [smem:$0x0];
	_ =	sdelay $0x2  }
0xc3: {  	s31 =	sshll.u32 s1, $0xD;
	s1 =	sshrl.u32 s1, $0x2  }
0xc4: {  	s3 =	sand.u32 $0x4000, s31;
	s1 =	sadd.s32 s1, s30  }
0xc5: {  	s0 =	sor.u32 s3, s0;
	s1 =	sshll.u32 s1, $0x11  }
0xc6: {  	s0 =	sor.u32 s1, s0  }
0xc7: {  	s0 =	sadd.s32 $0x8F2B, s0  }
0xc8: {  	[sflag:s0] =	ssyncadd.remote.s32 $0x1  }
0xc9: {  	_ =	sfence.sel $0xFFFF  }
0xca: {  	[dreg:$0x0] =	wrdreg $0xFFFFFFFF;
	(pc) =	sbr.abs _section_cstart, $3  }
0xcb: {  	[dreg:$0x1] =	wrdreg $0xFFFFFFFF  }
0xcc: {  	_ =	task.clear_ibuf [dreg:s11], $0x2FFFF;
	_ =	strace $0x9FFFFFFF  }
0xcd: {  	(tm) =	ssettm $0x7FFFFFFF  }
tec
execute0_lowered:
.L_overlay_start_1:
0x0: {  	(tag) =	ssettag $0x1  }
0x1: {  	s0 =	rddreg [dreg:$0x0]  }
0x2: {  	s7 =	rddreg [dreg:$0x1]  }
0x3: {  	s1 =	rddreg [dreg:$0x2]  }
0x4: {  	s3 =	rddreg [dreg:$0x3]  }
0x5: {  	s4 =	rddreg [dreg:$0x4];
	s2 =	srdreg.scid  }
0x6: {  	s8 =	stileid.u32;
	s5 =	rddreg [dreg:$0x5]  }
0x7: {  	s11 =	simm.s32 $0x80;
	s12 =	simm.s32 $0x200;
	s13 =	simm.s32 $0x400  }
0x8: {  	s14 =	simm.s32 $0x4600;
	s15 =	simm.s32 $0x280;
	s16 =	simm.s32 $0x11600  }
0x9: {  	s17 =	simm.s32 $0x480;
	p0 =	por $0x0, $0x0;
	s28 =	simm.s32 $0x380  }
0xa: {  	s29 =	simm.s32 $0x13600;
	s30 =	simm.s32 $0x580;
	s31 =	simm.s32 $0x15E00  }
0xb: {  	s6 =	sand.u32 $0x1, s2;
	s8 =	sshll.u32 s8, $0x1;
	s2 =	simm.s32 $0x0  }
0xc: {  	s9 =	sor.u32 s6, s8;
	[smem:$0x7FF] =	sst s2;
	s8 =	sadd.s32 $0xC00, s1  }
0xd: {  	s6 =	ssub.s32 $0x2, s6;
	s10 =	smul.u32 $0xC0, s9;
	_ =	strace $0x80000047  }
0xe: {  	s18 =	sshll.u32 s9, $0xD;
	s20 =	sshll.u32 s9, $0xB;
	s22 =	sshll.u32 s9, $0xA  }
0xf: {  	s23 =	sshrl.u32 s6, $0x1;
	s9 =	simm.s32 $0x1;
	s19 =	sadd.s32 s3, s18  }
0x10: {  	s21 =	sadd.s32 s4, s20;
	s24 =	sadd.s32 s5, s22;
	s25 =	ssub.s32 s6, s23  }
0x11: {  	s3 =	simm.s32 $0x2;
	s6 =	simm.s32 $0x600;
	s5 =	simm.s32 $0x10600  }
0x12: {  	s4 =	simm.s32 $0x14600;
	s18 =	simm.s32 $0x14E00;
	s26 =	smax.u32 s25, $0x1  }
0x13: {  	s20 =	simm.s32 $0x8600;
	s22 =	simm.s32 $0x12600;
	p1 =	sne.s32 s26, $0x1  }
.Ltmp0:
0x14: {  	s23 =	simm.s32 $0x500;
	[dreg:$0x8] =	wrdreg s19;
	(pc) =	sbr.rel @!p1 .LBB2_3-.Ltmp0, $4  }
0x15: {  	s0 =	sadd.s32 s0, s10;
	[dreg:$0x9] =	wrdreg s21;
	s10 =	sadd.s32 $0xA00, s1  }
0x16: {  	[dreg:$0xa] =	wrdreg s24;
	s19 =	simm.s32 $0x100;
	s21 =	simm.s32 $0x300  }
0x17: {  	s24 =	simm.s32 $0x15600;
	s25 =	simm.s32 $0x180;
	[dreg:$0x7] =	wrdreg s0  }
0x18: {  	s1 =	sadd.s32 $0xFFFFFFFF, s26;
	s26 =	simm.s32 $0xC600;
	s0 =	rddreg [dreg:$0x7]  }
0x19: {  	[tilespmem:s2], [sflag:$0x2] =	stream.linear.gather [hbm4b:s0+s2], $0x600, $0x38;
	[tilespmem:$0x16600] =	vst v63  }
0x1a: {  	_ =	swait.ge [sflag:s3], $0x600  }
0x1b: {  	[sflag:s3] =	ssyncset.done $0x0  }
0x1c: {  	[sflag:s3] =	ssyncadd.s32 $0xFFFFFA00  }
0x1d: {  	[tilespmem:s6], [sflag:$0x1] =	stream.indirect.gather [hbm4b:s7+s11], $0x80, s2, s11, $0xb8;
	[tilespmem:$0x16600] =	vst v63  }
0x1e: {  	_ = 	snop  }
0x1f: {  	[tilespmem:s5], [sflag:$0x1] =	stream.indirect.gather [hbm4b:s8+s11], $0x20, s12, s11, $0xb8;
	[tilespmem:$0x16600] =	vst v63  }
0x20: {  	_ = 	snop  }
0x21: {  	[tilespmem:s4], [sflag:$0x1] =	stream.indirect.gather [hbm4b:s10+s11], $0x10, s13, s11, $0xb8;
	[tilespmem:$0x16600] =	vst v63  }
0x22: {  	_ = 	snop  }
0x23: {  	[tilespmem:s14], [sflag:$0x1] =	stream.indirect.gather [hbm4b:s7+s11], $0x80, s11, s11, $0xb8;
	[tilespmem:$0x16600] =	vst v63  }
0x24: {  	_ = 	snop  }
0x25: {  	[tilespmem:s16], [sflag:$0x1] =	stream.indirect.gather [hbm4b:s8+s11], $0x20, s15, s11, $0xb8;
	[tilespmem:$0x16600] =	vst v63  }
0x26: {  	_ = 	snop  }
0x27: {  	[tilespmem:s18], [sflag:$0x1] =	stream.indirect.gather [hbm4b:s10+s11], $0x10, s17, s11, $0xb8;
	[tilespmem:$0x16600] =	vst v63  }
0x28: {  	_ = 	snop  }
0x29: {  	[tilespmem:s20], [sflag:$0x1] =	stream.indirect.gather [hbm4b:s7+s11], $0x80, s19, s11, $0xb8;
	[tilespmem:$0x16600] =	vst v63  }
0x2a: {  	_ = 	snop  }
0x2b: {  	[tilespmem:s22], [sflag:$0x1] =	stream.indirect.gather [hbm4b:s8+s11], $0x20, s21, s11, $0xb8;
	[tilespmem:$0x16600] =	vst v63  }
0x2c: {  	_ = 	snop  }
0x2d: {  	[tilespmem:s24], [sflag:$0x1] =	stream.indirect.gather [hbm4b:s10+s11], $0x10, s23, s11, $0xb8;
	[tilespmem:$0x16600] =	vst v63  }
0x2e: {  	_ = 	snop  }
0x2f: {  	[tilespmem:s26], [sflag:$0x1] =	stream.indirect.gather [hbm4b:s7+s11], $0x80, s25, s11, $0xb8;
	[tilespmem:$0x16600] =	vst v63  }
0x30: {  	_ = 	snop  }
0x31: {  	[tilespmem:s29], [sflag:$0x1] =	stream.indirect.gather [hbm4b:s8+s11], $0x20, s28, s11, $0xb8;
	[tilespmem:$0x16600] =	vst v63  }
0x32: {  	_ = 	snop  }
0x33: {  	[tilespmem:s31], [sflag:$0x1] =	stream.indirect.gather [hbm4b:s10+s11], $0x10, s30, s11, $0xb8;
	[tilespmem:$0x16600] =	vst v63  }
0x34: {  	_ =	swait.ge [sflag:s9], $0x4000  }
0x35: {  	[sflag:s9] =	ssyncset.done $0x0  }
0x36: {  	[sflag:s9] =	ssyncadd.s32 $0xFFFFC000  }
0x37: {  	_ =	swait.ge [sflag:s9], $0x1000  }
0x38: {  	[sflag:s9] =	ssyncset.done $0x0  }
0x39: {  	[sflag:s9] =	ssyncadd.s32 $0xFFFFF000  }
0x3a: {  	_ =	swait.ge [sflag:s9], $0x800  }
0x3b: {  	[sflag:s9] =	ssyncset.done $0x0  }
0x3c: {  	[sflag:s9] =	ssyncadd.s32 $0xFFFFF800  }
0x3d: {  	_ =	swait.ge [sflag:s9], $0x4000  }
0x3e: {  	[sflag:s9] =	ssyncset.done $0x0  }
0x3f: {  	[sflag:s9] =	ssyncadd.s32 $0xFFFFC000  }
0x40: {  	_ =	swait.ge [sflag:s9], $0x1000  }
0x41: {  	[sflag:s9] =	ssyncset.done $0x0  }
0x42: {  	[sflag:s9] =	ssyncadd.s32 $0xFFFFF000  }
0x43: {  	_ =	swait.ge [sflag:s9], $0x800  }
0x44: {  	[sflag:s9] =	ssyncset.done $0x0  }
0x45: {  	[sflag:s9] =	ssyncadd.s32 $0xFFFFF800  }
0x46: {  	_ =	swait.ge [sflag:s9], $0x4000  }
0x47: {  	[sflag:s9] =	ssyncset.done $0x0  }
0x48: {  	[sflag:s9] =	ssyncadd.s32 $0xFFFFC000  }
0x49: {  	_ =	swait.ge [sflag:s9], $0x1000  }
0x4a: {  	[sflag:s9] =	ssyncset.done $0x0  }
0x4b: {  	[sflag:s9] =	ssyncadd.s32 $0xFFFFF000  }
0x4c: {  	_ =	swait.ge [sflag:s9], $0x800  }
0x4d: {  	[sflag:s9] =	ssyncset.done $0x0  }
0x4e: {  	[sflag:s9] =	ssyncadd.s32 $0xFFFFF800  }
0x4f: {  	_ =	swait.ge [sflag:s9], $0x4000  }
0x50: {  	[sflag:s9] =	ssyncset.done $0x0  }
0x51: {  	[sflag:s9] =	ssyncadd.s32 $0xFFFFC000  }
0x52: {  	_ =	swait.ge [sflag:s9], $0x1000  }
0x53: {  	[sflag:s9] =	ssyncset.done $0x0  }
0x54: {  	[sflag:s9] =	ssyncadd.s32 $0xFFFFF000  }
0x55: {  	_ =	swait.ge [sflag:s9], $0x800  }
0x56: {  	[sflag:s9] =	ssyncset.done $0x0  }
0x57: {  	s0 =	rddreg [dreg:$0x8];
	[sflag:s9] =	ssyncadd.s32 $0xFFFFF800  }
0x58: {  	[hbm4b:s0+s2] =	stream.linear.scatter [tilespmem:s6], [sflag:$0x2], $0x10000, $0x38;
	[tilespmem:$0x16600] =	vst v63  }
0x59: {  	_ =	swait.ge [sflag:s3], $0x10000  }
0x5a: {  	[sflag:s3] =	ssyncset.done $0x0  }
0x5b: {  	s0 =	rddreg [dreg:$0x9];
	[sflag:s3] =	ssyncadd.s32 $0xFFFF0000  }
0x5c: {  	[hbm4b:s0+s2] =	stream.linear.scatter [tilespmem:s5], [sflag:$0x2], $0x4000, $0x38;
	[tilespmem:$0x16600] =	vst v63  }
0x5d: {  	p1 =	sne.s32 s1, $0x1;
	_ =	swait.ge [sflag:s3], $0x4000  }
.Ltmp1:
0x5e: {  	[sflag:s3] =	ssyncset.done $0x0;
	(pc) =	sbr.rel @!p1 .LBB2_3-.Ltmp1, $4  }
0x5f: {  	s0 =	rddreg [dreg:$0xa];
	[sflag:s3] =	ssyncadd.s32 $0xFFFFC000  }
0x60: {  	[hbm4b:s0+s2] =	stream.linear.scatter [tilespmem:s4], [sflag:$0x2], $0x2000, $0x38;
	[tilespmem:$0x16600] =	vst v63  }
0x61: {  	s1 =	sadd.s32 $0xFFFFFFFF, s1;
	_ =	swait.ge [sflag:s3], $0x2000  }
0x62: {  	p0 =	por $0x1, $0x1;
	s0 =	rddreg [dreg:$0x7];
	[sflag:s3] =	ssyncset.done $0x0  }
.LBB2_2:
0x63: {  	[sflag:s3] =	ssyncadd.s32 $0xFFFFE000  }
0x64: {  	[tilespmem:s2], [sflag:$0x2] =	stream.linear.gather [hbm4b:s0+s2], $0x600, $0x38;
	[tilespmem:$0x16600] =	vst v63  }
0x65: {  	_ =	swait.ge [sflag:s3], $0x600  }
0x66: {  	[sflag:s3] =	ssyncset.done $0x0  }
0x67: {  	[sflag:s3] =	ssyncadd.s32 $0xFFFFFA00  }
0x68: {  	[tilespmem:s6], [sflag:$0x1] =	stream.indirect.gather [hbm4b:s7+s11], $0x80, s2, s11, $0xb8;
	[tilespmem:$0x16600] =	vst v63  }
0x69: {  	_ = 	snop  }
0x6a: {  	[tilespmem:s5], [sflag:$0x1] =	stream.indirect.gather [hbm4b:s8+s11], $0x20, s12, s11, $0xb8;
	[tilespmem:$0x16600] =	vst v63  }
0x6b: {  	_ = 	snop  }
0x6c: {  	[tilespmem:s4], [sflag:$0x1] =	stream.indirect.gather [hbm4b:s10+s11], $0x10, s13, s11, $0xb8;
	[tilespmem:$0x16600] =	vst v63  }
0x6d: {  	_ = 	snop  }
0x6e: {  	[tilespmem:s14], [sflag:$0x1] =	stream.indirect.gather [hbm4b:s7+s11], $0x80, s11, s11, $0xb8;
	[tilespmem:$0x16600] =	vst v63  }
0x6f: {  	_ = 	snop  }
0x70: {  	[tilespmem:s16], [sflag:$0x1] =	stream.indirect.gather [hbm4b:s8+s11], $0x20, s15, s11, $0xb8;
	[tilespmem:$0x16600] =	vst v63  }
0x71: {  	_ = 	snop  }
0x72: {  	[tilespmem:s18], [sflag:$0x1] =	stream.indirect.gather [hbm4b:s10+s11], $0x10, s17, s11, $0xb8;
	[tilespmem:$0x16600] =	vst v63  }
0x73: {  	_ = 	snop  }
0x74: {  	[tilespmem:s20], [sflag:$0x1] =	stream.indirect.gather [hbm4b:s7+s11], $0x80, s19, s11, $0xb8;
	[tilespmem:$0x16600] =	vst v63  }
0x75: {  	_ = 	snop  }
0x76: {  	[tilespmem:s22], [sflag:$0x1] =	stream.indirect.gather [hbm4b:s8+s11], $0x20, s21, s11, $0xb8;
	[tilespmem:$0x16600] =	vst v63  }
0x77: {  	_ = 	snop  }
0x78: {  	[tilespmem:s24], [sflag:$0x1] =	stream.indirect.gather [hbm4b:s10+s11], $0x10, s23, s11, $0xb8;
	[tilespmem:$0x16600] =	vst v63  }
0x79: {  	_ = 	snop  }
0x7a: {  	[tilespmem:s26], [sflag:$0x1] =	stream.indirect.gather [hbm4b:s7+s11], $0x80, s25, s11, $0xb8;
	[tilespmem:$0x16600] =	vst v63  }
0x7b: {  	_ = 	snop  }
0x7c: {  	[tilespmem:s29], [sflag:$0x1] =	stream.indirect.gather [hbm4b:s8+s11], $0x20, s28, s11, $0xb8;
	[tilespmem:$0x16600] =	vst v63  }
0x7d: {  	_ = 	snop  }
0x7e: {  	[tilespmem:s31], [sflag:$0x1] =	stream.indirect.gather [hbm4b:s10+s11], $0x10, s30, s11, $0xb8;
	[tilespmem:$0x16600] =	vst v63  }
0x7f: {  	_ =	swait.ge [sflag:s9], $0x4000  }
0x80: {  	[sflag:s9] =	ssyncset.done $0x0  }
0x81: {  	[sflag:s9] =	ssyncadd.s32 $0xFFFFC000  }
0x82: {  	_ =	swait.ge [sflag:s9], $0x1000  }
0x83: {  	[sflag:s9] =	ssyncset.done $0x0  }
0x84: {  	[sflag:s9] =	ssyncadd.s32 $0xFFFFF000  }
0x85: {  	_ =	swait.ge [sflag:s9], $0x800  }
0x86: {  	[sflag:s9] =	ssyncset.done $0x0  }
0x87: {  	[sflag:s9] =	ssyncadd.s32 $0xFFFFF800  }
0x88: {  	_ =	swait.ge [sflag:s9], $0x4000  }
0x89: {  	[sflag:s9] =	ssyncset.done $0x0  }
0x8a: {  	[sflag:s9] =	ssyncadd.s32 $0xFFFFC000  }
0x8b: {  	_ =	swait.ge [sflag:s9], $0x1000  }
0x8c: {  	[sflag:s9] =	ssyncset.done $0x0  }
0x8d: {  	[sflag:s9] =	ssyncadd.s32 $0xFFFFF000  }
0x8e: {  	_ =	swait.ge [sflag:s9], $0x800  }
0x8f: {  	[sflag:s9] =	ssyncset.done $0x0  }
0x90: {  	[sflag:s9] =	ssyncadd.s32 $0xFFFFF800  }
0x91: {  	_ =	swait.ge [sflag:s9], $0x4000  }
0x92: {  	[sflag:s9] =	ssyncset.done $0x0  }
0x93: {  	[sflag:s9] =	ssyncadd.s32 $0xFFFFC000  }
0x94: {  	_ =	swait.ge [sflag:s9], $0x1000  }
0x95: {  	[sflag:s9] =	ssyncset.done $0x0  }
0x96: {  	[sflag:s9] =	ssyncadd.s32 $0xFFFFF000  }
0x97: {  	_ =	swait.ge [sflag:s9], $0x800  }
0x98: {  	[sflag:s9] =	ssyncset.done $0x0  }
0x99: {  	[sflag:s9] =	ssyncadd.s32 $0xFFFFF800  }
0x9a: {  	_ =	swait.ge [sflag:s9], $0x4000  }
0x9b: {  	[sflag:s9] =	ssyncset.done $0x0  }
0x9c: {  	[sflag:s9] =	ssyncadd.s32 $0xFFFFC000  }
0x9d: {  	_ =	swait.ge [sflag:s9], $0x1000  }
0x9e: {  	[sflag:s9] =	ssyncset.done $0x0  }
0x9f: {  	[sflag:s9] =	ssyncadd.s32 $0xFFFFF000  }
0xa0: {  	_ =	swait.ge [sflag:s9], $0x800  }
0xa1: {  	[sflag:s9] =	ssyncset.done $0x0  }
0xa2: {  	s0 =	rddreg [dreg:$0x8];
	[sflag:s9] =	ssyncadd.s32 $0xFFFFF800  }
0xa3: {  	[hbm4b:s0+s2] =	stream.linear.scatter [tilespmem:s6], [sflag:$0x2], $0x10000, $0x38;
	[tilespmem:$0x16600] =	vst v63  }
0xa4: {  	_ =	swait.ge [sflag:s3], $0x10000  }
0xa5: {  	[sflag:s3] =	ssyncset.done $0x0  }
0xa6: {  	s0 =	rddreg [dreg:$0x9];
	[sflag:s3] =	ssyncadd.s32 $0xFFFF0000  }
0xa7: {  	[hbm4b:s0+s2] =	stream.linear.scatter [tilespmem:s5], [sflag:$0x2], $0x4000, $0x38;
	[tilespmem:$0x16600] =	vst v63  }
0xa8: {  	p1 =	sne.s32 s1, $0x1;
	_ =	swait.ge [sflag:s3], $0x4000  }
.Ltmp2:
0xa9: {  	[sflag:s3] =	ssyncset.done $0x0;
	(pc) =	sbr.rel @p1 .LBB2_2-.Ltmp2, $4  }
0xaa: {  	s0 =	rddreg [dreg:$0xa];
	[sflag:s3] =	ssyncadd.s32 $0xFFFFC000  }
0xab: {  	[hbm4b:s0+s2] =	stream.linear.scatter [tilespmem:s4], [sflag:$0x2], $0x2000, $0x38;
	[tilespmem:$0x16600] =	vst v63  }
0xac: {  	_ =	swait.ge [sflag:s3], $0x2000  }
0xad: {  	s1 =	sadd.s32 $0xFFFFFFFF, s1;
	s0 =	rddreg [dreg:$0x7];
	[sflag:s3] =	ssyncset.done $0x0  }
.LBB2_3:
0xae: {  	[sflag:s3] =	ssyncadd.s32 @p0 $0xFFFFE000  }
0xaf: {  	[tilespmem:s2], [sflag:$0x2] =	stream.linear.gather [hbm4b:s0+s2], $0x600, $0x38;
	[tilespmem:$0x16600] =	vst v63  }
0xb0: {  	_ =	swait.ge [sflag:s3], $0x600  }
0xb1: {  	[sflag:s3] =	ssyncset.done $0x0  }
0xb2: {  	[sflag:s3] =	ssyncadd.s32 $0xFFFFFA00  }
0xb3: {  	[tilespmem:s6], [sflag:$0x1] =	stream.indirect.gather [hbm4b:s7+s11], $0x80, s2, s11, $0xb8;
	[tilespmem:$0x16600] =	vst v63  }
0xb4: {  	_ = 	snop  }
0xb5: {  	[tilespmem:s5], [sflag:$0x1] =	stream.indirect.gather [hbm4b:s8+s11], $0x20, s12, s11, $0xb8;
	[tilespmem:$0x16600] =	vst v63  }
0xb6: {  	_ = 	snop  }
0xb7: {  	[tilespmem:s4], [sflag:$0x1] =	stream.indirect.gather [hbm4b:s10+s11], $0x10, s13, s11, $0xb8;
	[tilespmem:$0x16600] =	vst v63  }
0xb8: {  	_ = 	snop  }
0xb9: {  	[tilespmem:s14], [sflag:$0x1] =	stream.indirect.gather [hbm4b:s7+s11], $0x80, s11, s11, $0xb8;
	[tilespmem:$0x16600] =	vst v63  }
0xba: {  	_ = 	snop  }
0xbb: {  	[tilespmem:s16], [sflag:$0x1] =	stream.indirect.gather [hbm4b:s8+s11], $0x20, s15, s11, $0xb8;
	[tilespmem:$0x16600] =	vst v63  }
0xbc: {  	_ = 	snop  }
0xbd: {  	[tilespmem:s18], [sflag:$0x1] =	stream.indirect.gather [hbm4b:s10+s11], $0x10, s17, s11, $0xb8;
	[tilespmem:$0x16600] =	vst v63  }
0xbe: {  	_ = 	snop  }
0xbf: {  	[tilespmem:s20], [sflag:$0x1] =	stream.indirect.gather [hbm4b:s7+s11], $0x80, s19, s11, $0xb8;
	[tilespmem:$0x16600] =	vst v63  }
0xc0: {  	_ = 	snop  }
0xc1: {  	[tilespmem:s22], [sflag:$0x1] =	stream.indirect.gather [hbm4b:s8+s11], $0x20, s21, s11, $0xb8;
	[tilespmem:$0x16600] =	vst v63  }
0xc2: {  	_ = 	snop  }
0xc3: {  	[tilespmem:s24], [sflag:$0x1] =	stream.indirect.gather [hbm4b:s10+s11], $0x10, s23, s11, $0xb8;
	[tilespmem:$0x16600] =	vst v63  }
0xc4: {  	_ = 	snop  }
0xc5: {  	[tilespmem:s26], [sflag:$0x1] =	stream.indirect.gather [hbm4b:s7+s11], $0x80, s25, s11, $0xb8;
	[tilespmem:$0x16600] =	vst v63  }
0xc6: {  	_ = 	snop  }
0xc7: {  	[tilespmem:s29], [sflag:$0x1] =	stream.indirect.gather [hbm4b:s8+s11], $0x20, s28, s11, $0xb8;
	[tilespmem:$0x16600] =	vst v63  }
0xc8: {  	_ = 	snop  }
0xc9: {  	[tilespmem:s31], [sflag:$0x1] =	stream.indirect.gather [hbm4b:s10+s11], $0x10, s30, s11, $0xb8;
	[tilespmem:$0x16600] =	vst v63  }
0xca: {  	_ =	swait.ge [sflag:s9], $0x4000  }
0xcb: {  	[sflag:s9] =	ssyncset.done $0x0  }
0xcc: {  	[sflag:s9] =	ssyncadd.s32 $0xFFFFC000  }
0xcd: {  	_ =	swait.ge [sflag:s9], $0x1000  }
0xce: {  	[sflag:s9] =	ssyncset.done $0x0  }
0xcf: {  	[sflag:s9] =	ssyncadd.s32 $0xFFFFF000  }
0xd0: {  	_ =	swait.ge [sflag:s9], $0x800  }
0xd1: {  	[sflag:s9] =	ssyncset.done $0x0  }
0xd2: {  	[sflag:s9] =	ssyncadd.s32 $0xFFFFF800  }
0xd3: {  	_ =	swait.ge [sflag:s9], $0x4000  }
0xd4: {  	[sflag:s9] =	ssyncset.done $0x0  }
0xd5: {  	[sflag:s9] =	ssyncadd.s32 $0xFFFFC000  }
0xd6: {  	_ =	swait.ge [sflag:s9], $0x1000  }
0xd7: {  	[sflag:s9] =	ssyncset.done $0x0  }
0xd8: {  	[sflag:s9] =	ssyncadd.s32 $0xFFFFF000  }
0xd9: {  	_ =	swait.ge [sflag:s9], $0x800  }
0xda: {  	[sflag:s9] =	ssyncset.done $0x0  }
0xdb: {  	[sflag:s9] =	ssyncadd.s32 $0xFFFFF800  }
0xdc: {  	_ =	swait.ge [sflag:s9], $0x4000  }
0xdd: {  	[sflag:s9] =	ssyncset.done $0x0  }
0xde: {  	[sflag:s9] =	ssyncadd.s32 $0xFFFFC000  }
0xdf: {  	_ =	swait.ge [sflag:s9], $0x1000  }
0xe0: {  	[sflag:s9] =	ssyncset.done $0x0  }
0xe1: {  	[sflag:s9] =	ssyncadd.s32 $0xFFFFF000  }
0xe2: {  	_ =	swait.ge [sflag:s9], $0x800  }
0xe3: {  	[sflag:s9] =	ssyncset.done $0x0  }
0xe4: {  	[sflag:s9] =	ssyncadd.s32 $0xFFFFF800  }
0xe5: {  	_ =	swait.ge [sflag:s9], $0x4000  }
0xe6: {  	[sflag:s9] =	ssyncset.done $0x0  }
0xe7: {  	[sflag:s9] =	ssyncadd.s32 $0xFFFFC000  }
0xe8: {  	_ =	swait.ge [sflag:s9], $0x1000  }
0xe9: {  	[sflag:s9] =	ssyncset.done $0x0  }
0xea: {  	[sflag:s9] =	ssyncadd.s32 $0xFFFFF000  }
0xeb: {  	_ =	swait.ge [sflag:s9], $0x800  }
0xec: {  	[sflag:s9] =	ssyncset.done $0x0  }
0xed: {  	s28 =	rddreg [dreg:$0x8];
	[sflag:s9] =	ssyncadd.s32 $0xFFFFF800  }
0xee: {  	[hbm4b:s28+s2] =	stream.linear.scatter [tilespmem:s6], [sflag:$0x2], $0x10000, $0x38;
	[tilespmem:$0x16600] =	vst v63  }
0xef: {  	_ =	swait.ge [sflag:s3], $0x10000  }
0xf0: {  	[sflag:s3] =	ssyncset.done $0x0  }
0xf1: {  	s29 =	rddreg [dreg:$0x9];
	[sflag:s3] =	ssyncadd.s32 $0xFFFF0000  }
0xf2: {  	[hbm4b:s29+s2] =	stream.linear.scatter [tilespmem:s5], [sflag:$0x2], $0x4000, $0x38;
	[tilespmem:$0x16600] =	vst v63  }
0xf3: {  	_ =	swait.ge [sflag:s3], $0x4000  }
0xf4: {  	[sflag:s3] =	ssyncset.done $0x0  }
0xf5: {  	s30 =	rddreg [dreg:$0xa];
	[sflag:s3] =	ssyncadd.s32 $0xFFFFC000  }
0xf6: {  	[hbm4b:s30+s2] =	stream.linear.scatter [tilespmem:s4], [sflag:$0x2], $0x2000, $0x38;
	[tilespmem:$0x16600] =	vst v63  }
0xf7: {  	_ =	swait.ge [sflag:s3], $0x2000  }
0xf8: {  	[sflag:s3] =	ssyncset.done $0x0  }
0xf9: {  	[sflag:s3] =	ssyncadd.s32 $0xFFFFE000  }
0xfa: {  	_ =	sfence.sel $0x180000  }
0xfb: {  	[bflag:$0x0] =	sbarrier.arrive $0xFFFF  }
0xfc: {  	_ =	strace $0x90000047  }
0xfd: {  	s31 =	stileid.u32;
	[bflag:$0x2] =	sbarrier.arrive $0xFFFF  }
0xfe: {  	p0 =	sne.s32 s31, $0x0;
	s0 =	rddreg [dreg:$0x6]  }
0xff: {  	s0 =	sadd.s32 @!p0 $0x100000, s0  }
0x100: {  	[sflag:s0] =	ssyncadd.tile.s32 @!p0 $0x1;
	_ =	shalt  }
.Lfunc_end2:
_tile_overlayer_lowered:
.L_overlay_start_2:
0x101: {  	(tag) =	ssettag $0x2  }
0x102: {  	s0 =	rddreg [dreg:$0x0];
	s2 =	stileid.u32  }
0x103: {  	s1 =	rddreg [dreg:$0x1];
	p0 =	sne.s32 s2, $0x0  }
0x104: {  	s3 =	rddreg [dreg:$0x2];
	[bflag:$0x3] =	sbarrier.arrive $0xFFFF;
	s2 =	simm.s32 @!p0 $0x1C02  }
0x105: {  	[timem:s3], [sflag:s2] =	dma.local @!p0 [hbm:s0], s1  }
0x106: {  	s0 =	simm.s32 @!p0 $0x2  }
0x107: {  	_ =	swait.ge @!p0 [sflag:s0], s1  }
0x108: {  	s1 =	ssub.s32 @!p0 $0x0, s1;
	[sflag:s0] =	ssyncset.done @!p0 $0x0  }
0x109: {  	[sflag:s0] =	ssyncadd.s32 @!p0 s1  }
0x10a: {  	[bflag:$0x3] =	sbarrier.arrive $0xFFFF  }
0x10b: {  	_ =	shalt  }

</sc_bundles>
